<compile_context>
chip_gen: v7x
topology: tpu7x:2x2x1
jax: 0.10.2.dev20260603
libtpu: 0.0.44.dev20260713+nightly
codegen_flags: <defaults>
</compile_context>

<pallas_src>
import jax
import jax.numpy as jnp
from jax import lax
from jax.experimental import pallas as pl
from jax.experimental.pallas import tpu as pltpu
from jax.experimental.pallas import tpu_sc as plsc

VOCAB = 1000000
SEQ_LEN = 200
EMBED_DIM = 64
BATCH = 1024

NUM_WORKERS = 32
TOTAL = BATCH * SEQ_LEN
PER_WORKER = TOTAL // NUM_WORKERS
CHUNK = 800
NCHUNK = PER_WORKER // CHUNK
REPS = CHUNK // SEQ_LEN
COLS = EMBED_DIM // 16

GATHER_SPLITS = [(off, min(128, CHUNK - off)) for off in range(0, CHUNK, 128)]


def _body(x_hbm, tok_hbm, pos_hbm, out_hbm, idx_v, rows_v, pos_v, sem):
    nc = 2
    wid = lax.axis_index("s") * nc + lax.axis_index("c")
    base = wid * PER_WORKER

    pltpu.sync_copy(pos_hbm, pos_v)

    def chunk_body(ci, carry):
        start = base + ci * CHUNK
        pltpu.sync_copy(x_hbm.at[pl.ds(start, CHUNK)], idx_v)

        descs = []
        for off, n in GATHER_SPLITS:
            descs.append(
                pltpu.async_copy(
                    tok_hbm.at[idx_v.at[pl.ds(off, n)]],
                    rows_v.at[pl.ds(off, n)],
                    sem,
                )
            )
        for d in descs:
            d.wait()

        def add_body(r, carry2):
            for c in range(COLS):
                sl = pl.ds(c * 16, 16)
                p = pos_v[r, sl]
                for rep in range(REPS):
                    plsc.addupdate(rows_v.at[rep * SEQ_LEN + r, sl], p)
            return carry2

        lax.fori_loop(0, SEQ_LEN, add_body, 0, unroll=2)

        pltpu.sync_copy(rows_v, out_hbm.at[pl.ds(start, CHUNK)])
        return carry

    lax.fori_loop(0, NCHUNK, chunk_body, 0)


@jax.jit
def _run(x_flat, token_table, pos_table):
    mesh = plsc.VectorSubcoreMesh(core_axis_name="c", subcore_axis_name="s")
    return pl.kernel(
        _body,
        out_type=jax.ShapeDtypeStruct((TOTAL, EMBED_DIM), jnp.float32),
        mesh=mesh,
        scratch_types=[
            pltpu.VMEM((CHUNK,), jnp.int32),
            pltpu.VMEM((CHUNK, EMBED_DIM), jnp.float32),
            pltpu.VMEM((SEQ_LEN, EMBED_DIM), jnp.float32),
            pltpu.SemaphoreType.DMA,
        ],
        compiler_params=pltpu.CompilerParams(use_tc_tiling_on_sc=False),
    )(x_flat, token_table, pos_table)


def kernel(x, token_table, pos_table):
    x_flat = x.reshape(TOTAL).astype(jnp.int32)
    out = _run(x_flat, token_table, pos_table)
    return out.reshape(BATCH, SEQ_LEN, EMBED_DIM)

# --- scband reference (transcript-rebuilt; emitter-appended) ---
"""Pipeline reference for scband-token-and-position-embedding-5858335392217 (READ-ONLY COPY).

The authoritative reference and input builder live on the scoring server;
editing this copy changes nothing except your own understanding.
"""

import jax, jax.numpy as jnp
import numpy as np

VOCAB = 1000000
SEQ_LEN = 200
EMBED_DIM = 64
BATCH = 1024

def setup_inputs(seed: int = 0) -> dict:
    key = jax.random.key(seed)
    k1, k2, k3 = jax.random.split(key, 3)
    x = jax.random.randint(k1, (BATCH, SEQ_LEN), 0, VOCAB, dtype=jnp.int64 if jax.config.jax_enable_x64 else jnp.int32)
    token_table = jax.random.normal(k2, (VOCAB, EMBED_DIM), dtype=jnp.float32) * 0.02
    pos_table = jax.random.normal(k3, (SEQ_LEN, EMBED_DIM), dtype=jnp.float32) * 0.02
    return {"x": x, "token_table": token_table, "pos_table": pos_table}

def reference(x, token_table, pos_table):
    # TokenAndPositionEmbedding.call:
    # positions = range(seq_len); pos_emb(positions); token_emb(x); add
    seq_len = x.shape[-1]
    positions = jnp.arange(seq_len)
    pos = jnp.take(pos_table, positions, axis=0)            # [L, D]
    tok = jnp.take(token_table, x, axis=0)                  # [B, L, D]
    return tok + pos[None, :, :]

if __name__ == "__main__":
    import jax
    _d = setup_inputs()
    print(jax.jit(kernel)(*tuple(_d.values())))

</pallas_src>

<mosaic_0001>
#map = affine_map<(d0, d1) -> (0)>
#map1 = affine_map<(d0, d1) -> (0, 0)>
module attributes {stable_mosaic.version = 14 : i64} {
  func.func @_body(%arg0: i32, %arg1: i32, %arg2: memref<204800xi32, #tpu.memory_space<hbm>>, %arg3: memref<1000000x64xf32, #tpu.memory_space<hbm>>, %arg4: memref<200x64xf32, #tpu.memory_space<hbm>>, %arg5: memref<204800x64xf32, #tpu.memory_space<hbm>>, %arg6: memref<800xi32, #tpu.memory_space<vmem>>, %arg7: memref<800x64xf32, #tpu.memory_space<vmem>>, %arg8: memref<200x64xf32, #tpu.memory_space<vmem>>, %arg9: memref<!tpu.dma_semaphore, #tpu.memory_space<semaphore_mem>>) attributes {dimension_semantics = [#tpu.dimension_semantics<core_parallel>, #tpu.dimension_semantics<subcore_parallel>], iteration_bounds = array<i64: 2, 16>, scalar_prefetch = 0 : i64, scratch_operands = 4 : i64, tpu.core_type = #tpu.core_type<sc_vector_subcore>, window_params = [{transform_indices = #map}, {transform_indices = #map1}, {transform_indices = #map1}, {transform_indices = #map1}]} {
    %mul3A = arith.constant 2 : i32
    %mul3A_0 = arith.muli %arg1, %mul3A : i32
    %add3A = arith.addi %mul3A_0, %arg0 : i32
    %mul3A_1 = arith.constant 6400 : i32
    %mul3A_2 = arith.muli %add3A, %mul3A_1 : i32
    "tpu.region"() ({
      %run_scoped3A = tpu.sem_alloc : memref<!tpu.dma_semaphore, #tpu.memory_space<semaphore_mem>>
      tpu.enqueue_dma source(%arg4 : memref<200x64xf32, #tpu.memory_space<hbm>>) target(%arg8 : memref<200x64xf32, #tpu.memory_space<vmem>>) target_semaphore(%run_scoped3A : memref<!tpu.dma_semaphore, #tpu.memory_space<semaphore_mem>>)
      tpu.wait_dma2 semaphore(%run_scoped3A : memref<!tpu.dma_semaphore, #tpu.memory_space<semaphore_mem>>) src(%arg4 : memref<200x64xf32, #tpu.memory_space<hbm>>) dst(%arg8 : memref<200x64xf32, #tpu.memory_space<vmem>>)
      tpu.yield
    }) : () -> ()
    %scan3A = arith.constant 0 : i32
    %scan3A_3 = arith.constant 0 : i32
    %scan3A_4 = arith.constant 8 : i32
    %scan3A_5 = arith.addi %scan3A_3, %scan3A_4 : i32
    %scan3A_6 = arith.constant 1 : i32
    scf.for %scan3A_8 = %scan3A_3 to %scan3A_5 step %scan3A_6  : i32 {
      %mul3A_9 = arith.constant 800 : i32
      %mul3A_10 = arith.muli %scan3A_8, %mul3A_9 : i32
      %add3A_11 = arith.addi %mul3A_2, %mul3A_10 : i32
      "tpu.region"() ({
        %run_scoped3A = tpu.sem_alloc : memref<!tpu.dma_semaphore, #tpu.memory_space<semaphore_mem>>
        %dma_start3A_128 = tpu.memref_slice %arg2[%add3A_11] : memref<204800xi32, #tpu.memory_space<hbm>> -> memref<800xi32, #tpu.memory_space<hbm>>
        %dma_start3A_129 = tpu.memref_slice %arg2[%add3A_11] : memref<204800xi32, #tpu.memory_space<hbm>> -> memref<800xi32, #tpu.memory_space<hbm>>
        tpu.enqueue_dma source(%dma_start3A_129 : memref<800xi32, #tpu.memory_space<hbm>>) target(%arg6 : memref<800xi32, #tpu.memory_space<vmem>>) target_semaphore(%run_scoped3A : memref<!tpu.dma_semaphore, #tpu.memory_space<semaphore_mem>>)
        %dma_wait3A_130 = tpu.memref_slice %arg2[%add3A_11] : memref<204800xi32, #tpu.memory_space<hbm>> -> memref<800xi32, #tpu.memory_space<hbm>>
        %dma_wait3A_131 = tpu.memref_slice %arg2[%add3A_11] : memref<204800xi32, #tpu.memory_space<hbm>> -> memref<800xi32, #tpu.memory_space<hbm>>
        tpu.wait_dma2 semaphore(%run_scoped3A : memref<!tpu.dma_semaphore, #tpu.memory_space<semaphore_mem>>) src(%dma_wait3A_131 : memref<800xi32, #tpu.memory_space<hbm>>) dst(%arg6 : memref<800xi32, #tpu.memory_space<vmem>>)
        tpu.yield
      }) : () -> ()
      %dma_start3A = arith.constant 0 : i32
      %dma_start3A_12 = arith.constant 0 : i32
      %dma_start3A_13 = tpu.memref_slice %arg7[%dma_start3A, %dma_start3A_12] : memref<800x64xf32, #tpu.memory_space<vmem>> -> memref<128x64xf32, #tpu.memory_space<vmem>>
      %dma_start3A_14 = arith.constant 0 : i32
      %dma_start3A_15 = tpu.memref_slice %arg6[%dma_start3A_14] : memref<800xi32, #tpu.memory_space<vmem>> -> memref<128xi32, #tpu.memory_space<vmem>>
      %dma_start3A_16 = arith.constant 0 : i32
      %dma_start3A_17 = arith.constant 0 : i32
      %dma_start3A_18 = tpu.memref_slice %arg3[%dma_start3A_16, %dma_start3A_17] : memref<1000000x64xf32, #tpu.memory_space<hbm>> -> memref<1000000x64xf32, #tpu.memory_space<hbm>>
      tpu.enqueue_indirect_dma source(%dma_start3A_18 : memref<1000000x64xf32, #tpu.memory_space<hbm>>) target(%dma_start3A_13 : memref<128x64xf32, #tpu.memory_space<vmem>>) offsets(%dma_start3A_15 : memref<128xi32, #tpu.memory_space<vmem>>) semaphore(%arg9 : memref<!tpu.dma_semaphore, #tpu.memory_space<semaphore_mem>>)
      %dma_start3A_19 = arith.constant 128 : i32
      %dma_start3A_20 = arith.constant 0 : i32
      %dma_start3A_21 = tpu.memref_slice %arg7[%dma_start3A_19, %dma_start3A_20] : memref<800x64xf32, #tpu.memory_space<vmem>> -> memref<128x64xf32, #tpu.memory_space<vmem>>
      %dma_start3A_22 = arith.constant 128 : i32
      %dma_start3A_23 = tpu.memref_slice %arg6[%dma_start3A_22] : memref<800xi32, #tpu.memory_space<vmem>> -> memref<128xi32, #tpu.memory_space<vmem>>
      %dma_start3A_24 = arith.constant 0 : i32
      %dma_start3A_25 = arith.constant 0 : i32
      %dma_start3A_26 = tpu.memref_slice %arg3[%dma_start3A_24, %dma_start3A_25] : memref<1000000x64xf32, #tpu.memory_space<hbm>> -> memref<1000000x64xf32, #tpu.memory_space<hbm>>
      tpu.enqueue_indirect_dma source(%dma_start3A_26 : memref<1000000x64xf32, #tpu.memory_space<hbm>>) target(%dma_start3A_21 : memref<128x64xf32, #tpu.memory_space<vmem>>) offsets(%dma_start3A_23 : memref<128xi32, #tpu.memory_space<vmem>>) semaphore(%arg9 : memref<!tpu.dma_semaphore, #tpu.memory_space<semaphore_mem>>)
      %dma_start3A_27 = arith.constant 256 : i32
      %dma_start3A_28 = arith.constant 0 : i32
      %dma_start3A_29 = tpu.memref_slice %arg7[%dma_start3A_27, %dma_start3A_28] : memref<800x64xf32, #tpu.memory_space<vmem>> -> memref<128x64xf32, #tpu.memory_space<vmem>>
      %dma_start3A_30 = arith.constant 256 : i32
      %dma_start3A_31 = tpu.memref_slice %arg6[%dma_start3A_30] : memref<800xi32, #tpu.memory_space<vmem>> -> memref<128xi32, #tpu.memory_space<vmem>>
      %dma_start3A_32 = arith.constant 0 : i32
      %dma_start3A_33 = arith.constant 0 : i32
      %dma_start3A_34 = tpu.memref_slice %arg3[%dma_start3A_32, %dma_start3A_33] : memref<1000000x64xf32, #tpu.memory_space<hbm>> -> memref<1000000x64xf32, #tpu.memory_space<hbm>>
      tpu.enqueue_indirect_dma source(%dma_start3A_34 : memref<1000000x64xf32, #tpu.memory_space<hbm>>) target(%dma_start3A_29 : memref<128x64xf32, #tpu.memory_space<vmem>>) offsets(%dma_start3A_31 : memref<128xi32, #tpu.memory_space<vmem>>) semaphore(%arg9 : memref<!tpu.dma_semaphore, #tpu.memory_space<semaphore_mem>>)
      %dma_start3A_35 = arith.constant 384 : i32
      %dma_start3A_36 = arith.constant 0 : i32
      %dma_start3A_37 = tpu.memref_slice %arg7[%dma_start3A_35, %dma_start3A_36] : memref<800x64xf32, #tpu.memory_space<vmem>> -> memref<128x64xf32, #tpu.memory_space<vmem>>
      %dma_start3A_38 = arith.constant 384 : i32
      %dma_start3A_39 = tpu.memref_slice %arg6[%dma_start3A_38] : memref<800xi32, #tpu.memory_space<vmem>> -> memref<128xi32, #tpu.memory_space<vmem>>
      %dma_start3A_40 = arith.constant 0 : i32
      %dma_start3A_41 = arith.constant 0 : i32
      %dma_start3A_42 = tpu.memref_slice %arg3[%dma_start3A_40, %dma_start3A_41] : memref<1000000x64xf32, #tpu.memory_space<hbm>> -> memref<1000000x64xf32, #tpu.memory_space<hbm>>
      tpu.enqueue_indirect_dma source(%dma_start3A_42 : memref<1000000x64xf32, #tpu.memory_space<hbm>>) target(%dma_start3A_37 : memref<128x64xf32, #tpu.memory_space<vmem>>) offsets(%dma_start3A_39 : memref<128xi32, #tpu.memory_space<vmem>>) semaphore(%arg9 : memref<!tpu.dma_semaphore, #tpu.memory_space<semaphore_mem>>)
      %dma_start3A_43 = arith.constant 512 : i32
      %dma_start3A_44 = arith.constant 0 : i32
      %dma_start3A_45 = tpu.memref_slice %arg7[%dma_start3A_43, %dma_start3A_44] : memref<800x64xf32, #tpu.memory_space<vmem>> -> memref<128x64xf32, #tpu.memory_space<vmem>>
      %dma_start3A_46 = arith.constant 512 : i32
      %dma_start3A_47 = tpu.memref_slice %arg6[%dma_start3A_46] : memref<800xi32, #tpu.memory_space<vmem>> -> memref<128xi32, #tpu.memory_space<vmem>>
      %dma_start3A_48 = arith.constant 0 : i32
      %dma_start3A_49 = arith.constant 0 : i32
      %dma_start3A_50 = tpu.memref_slice %arg3[%dma_start3A_48, %dma_start3A_49] : memref<1000000x64xf32, #tpu.memory_space<hbm>> -> memref<1000000x64xf32, #tpu.memory_space<hbm>>
      tpu.enqueue_indirect_dma source(%dma_start3A_50 : memref<1000000x64xf32, #tpu.memory_space<hbm>>) target(%dma_start3A_45 : memref<128x64xf32, #tpu.memory_space<vmem>>) offsets(%dma_start3A_47 : memref<128xi32, #tpu.memory_space<vmem>>) semaphore(%arg9 : memref<!tpu.dma_semaphore, #tpu.memory_space<semaphore_mem>>)
      %dma_start3A_51 = arith.constant 640 : i32
      %dma_start3A_52 = arith.constant 0 : i32
      %dma_start3A_53 = tpu.memref_slice %arg7[%dma_start3A_51, %dma_start3A_52] : memref<800x64xf32, #tpu.memory_space<vmem>> -> memref<128x64xf32, #tpu.memory_space<vmem>>
      %dma_start3A_54 = arith.constant 640 : i32
      %dma_start3A_55 = tpu.memref_slice %arg6[%dma_start3A_54] : memref<800xi32, #tpu.memory_space<vmem>> -> memref<128xi32, #tpu.memory_space<vmem>>
      %dma_start3A_56 = arith.constant 0 : i32
      %dma_start3A_57 = arith.constant 0 : i32
      %dma_start3A_58 = tpu.memref_slice %arg3[%dma_start3A_56, %dma_start3A_57] : memref<1000000x64xf32, #tpu.memory_space<hbm>> -> memref<1000000x64xf32, #tpu.memory_space<hbm>>
      tpu.enqueue_indirect_dma source(%dma_start3A_58 : memref<1000000x64xf32, #tpu.memory_space<hbm>>) target(%dma_start3A_53 : memref<128x64xf32, #tpu.memory_space<vmem>>) offsets(%dma_start3A_55 : memref<128xi32, #tpu.memory_space<vmem>>) semaphore(%arg9 : memref<!tpu.dma_semaphore, #tpu.memory_space<semaphore_mem>>)
      %dma_start3A_59 = arith.constant 768 : i32
      %dma_start3A_60 = arith.constant 0 : i32
      %dma_start3A_61 = tpu.memref_slice %arg7[%dma_start3A_59, %dma_start3A_60] : memref<800x64xf32, #tpu.memory_space<vmem>> -> memref<32x64xf32, #tpu.memory_space<vmem>>
      %dma_start3A_62 = arith.constant 768 : i32
      %dma_start3A_63 = tpu.memref_slice %arg6[%dma_start3A_62] : memref<800xi32, #tpu.memory_space<vmem>> -> memref<32xi32, #tpu.memory_space<vmem>>
      %dma_start3A_64 = arith.constant 0 : i32
      %dma_start3A_65 = arith.constant 0 : i32
      %dma_start3A_66 = tpu.memref_slice %arg3[%dma_start3A_64, %dma_start3A_65] : memref<1000000x64xf32, #tpu.memory_space<hbm>> -> memref<1000000x64xf32, #tpu.memory_space<hbm>>
      tpu.enqueue_indirect_dma source(%dma_start3A_66 : memref<1000000x64xf32, #tpu.memory_space<hbm>>) target(%dma_start3A_61 : memref<32x64xf32, #tpu.memory_space<vmem>>) offsets(%dma_start3A_63 : memref<32xi32, #tpu.memory_space<vmem>>) semaphore(%arg9 : memref<!tpu.dma_semaphore, #tpu.memory_space<semaphore_mem>>)
      %dma_wait3A = arith.constant 0 : i32
      %dma_wait3A_67 = arith.constant 0 : i32
      %dma_wait3A_68 = tpu.memref_slice %arg7[%dma_wait3A, %dma_wait3A_67] : memref<800x64xf32, #tpu.memory_space<vmem>> -> memref<128x64xf32, #tpu.memory_space<vmem>>
      %dma_wait3A_69 = arith.constant 0 : i32
      %dma_wait3A_70 = tpu.memref_slice %arg6[%dma_wait3A_69] : memref<800xi32, #tpu.memory_space<vmem>> -> memref<128xi32, #tpu.memory_space<vmem>>
      %dma_wait3A_71 = arith.constant 0 : i32
      %dma_wait3A_72 = arith.constant 0 : i32
      %dma_wait3A_73 = tpu.memref_slice %arg3[%dma_wait3A_71, %dma_wait3A_72] : memref<1000000x64xf32, #tpu.memory_space<hbm>> -> memref<1000000x64xf32, #tpu.memory_space<hbm>>
      tpu.wait_indirect_dma semaphore(%arg9 : memref<!tpu.dma_semaphore, #tpu.memory_space<semaphore_mem>>) src(%dma_wait3A_73 : memref<1000000x64xf32, #tpu.memory_space<hbm>>) dst(%dma_wait3A_68 : memref<128x64xf32, #tpu.memory_space<vmem>>)
      %dma_wait3A_74 = arith.constant 128 : i32
      %dma_wait3A_75 = arith.constant 0 : i32
      %dma_wait3A_76 = tpu.memref_slice %arg7[%dma_wait3A_74, %dma_wait3A_75] : memref<800x64xf32, #tpu.memory_space<vmem>> -> memref<128x64xf32, #tpu.memory_space<vmem>>
      %dma_wait3A_77 = arith.constant 128 : i32
      %dma_wait3A_78 = tpu.memref_slice %arg6[%dma_wait3A_77] : memref<800xi32, #tpu.memory_space<vmem>> -> memref<128xi32, #tpu.memory_space<vmem>>
      %dma_wait3A_79 = arith.constant 0 : i32
      %dma_wait3A_80 = arith.constant 0 : i32
      %dma_wait3A_81 = tpu.memref_slice %arg3[%dma_wait3A_79, %dma_wait3A_80] : memref<1000000x64xf32, #tpu.memory_space<hbm>> -> memref<1000000x64xf32, #tpu.memory_space<hbm>>
      tpu.wait_indirect_dma semaphore(%arg9 : memref<!tpu.dma_semaphore, #tpu.memory_space<semaphore_mem>>) src(%dma_wait3A_81 : memref<1000000x64xf32, #tpu.memory_space<hbm>>) dst(%dma_wait3A_76 : memref<128x64xf32, #tpu.memory_space<vmem>>)
      %dma_wait3A_82 = arith.constant 256 : i32
      %dma_wait3A_83 = arith.constant 0 : i32
      %dma_wait3A_84 = tpu.memref_slice %arg7[%dma_wait3A_82, %dma_wait3A_83] : memref<800x64xf32, #tpu.memory_space<vmem>> -> memref<128x64xf32, #tpu.memory_space<vmem>>
      %dma_wait3A_85 = arith.constant 256 : i32
      %dma_wait3A_86 = tpu.memref_slice %arg6[%dma_wait3A_85] : memref<800xi32, #tpu.memory_space<vmem>> -> memref<128xi32, #tpu.memory_space<vmem>>
      %dma_wait3A_87 = arith.constant 0 : i32
      %dma_wait3A_88 = arith.constant 0 : i32
      %dma_wait3A_89 = tpu.memref_slice %arg3[%dma_wait3A_87, %dma_wait3A_88] : memref<1000000x64xf32, #tpu.memory_space<hbm>> -> memref<1000000x64xf32, #tpu.memory_space<hbm>>
      tpu.wait_indirect_dma semaphore(%arg9 : memref<!tpu.dma_semaphore, #tpu.memory_space<semaphore_mem>>) src(%dma_wait3A_89 : memref<1000000x64xf32, #tpu.memory_space<hbm>>) dst(%dma_wait3A_84 : memref<128x64xf32, #tpu.memory_space<vmem>>)
      %dma_wait3A_90 = arith.constant 384 : i32
      %dma_wait3A_91 = arith.constant 0 : i32
      %dma_wait3A_92 = tpu.memref_slice %arg7[%dma_wait3A_90, %dma_wait3A_91] : memref<800x64xf32, #tpu.memory_space<vmem>> -> memref<128x64xf32, #tpu.memory_space<vmem>>
      %dma_wait3A_93 = arith.constant 384 : i32
      %dma_wait3A_94 = tpu.memref_slice %arg6[%dma_wait3A_93] : memref<800xi32, #tpu.memory_space<vmem>> -> memref<128xi32, #tpu.memory_space<vmem>>
      %dma_wait3A_95 = arith.constant 0 : i32
      %dma_wait3A_96 = arith.constant 0 : i32
      %dma_wait3A_97 = tpu.memref_slice %arg3[%dma_wait3A_95, %dma_wait3A_96] : memref<1000000x64xf32, #tpu.memory_space<hbm>> -> memref<1000000x64xf32, #tpu.memory_space<hbm>>
      tpu.wait_indirect_dma semaphore(%arg9 : memref<!tpu.dma_semaphore, #tpu.memory_space<semaphore_mem>>) src(%dma_wait3A_97 : memref<1000000x64xf32, #tpu.memory_space<hbm>>) dst(%dma_wait3A_92 : memref<128x64xf32, #tpu.memory_space<vmem>>)
      %dma_wait3A_98 = arith.constant 512 : i32
      %dma_wait3A_99 = arith.constant 0 : i32
      %dma_wait3A_100 = tpu.memref_slice %arg7[%dma_wait3A_98, %dma_wait3A_99] : memref<800x64xf32, #tpu.memory_space<vmem>> -> memref<128x64xf32, #tpu.memory_space<vmem>>
      %dma_wait3A_101 = arith.constant 512 : i32
      %dma_wait3A_102 = tpu.memref_slice %arg6[%dma_wait3A_101] : memref<800xi32, #tpu.memory_space<vmem>> -> memref<128xi32, #tpu.memory_space<vmem>>
      %dma_wait3A_103 = arith.constant 0 : i32
      %dma_wait3A_104 = arith.constant 0 : i32
      %dma_wait3A_105 = tpu.memref_slice %arg3[%dma_wait3A_103, %dma_wait3A_104] : memref<1000000x64xf32, #tpu.memory_space<hbm>> -> memref<1000000x64xf32, #tpu.memory_space<hbm>>
      tpu.wait_indirect_dma semaphore(%arg9 : memref<!tpu.dma_semaphore, #tpu.memory_space<semaphore_mem>>) src(%dma_wait3A_105 : memref<1000000x64xf32, #tpu.memory_space<hbm>>) dst(%dma_wait3A_100 : memref<128x64xf32, #tpu.memory_space<vmem>>)
      %dma_wait3A_106 = arith.constant 640 : i32
      %dma_wait3A_107 = arith.constant 0 : i32
      %dma_wait3A_108 = tpu.memref_slice %arg7[%dma_wait3A_106, %dma_wait3A_107] : memref<800x64xf32, #tpu.memory_space<vmem>> -> memref<128x64xf32, #tpu.memory_space<vmem>>
      %dma_wait3A_109 = arith.constant 640 : i32
      %dma_wait3A_110 = tpu.memref_slice %arg6[%dma_wait3A_109] : memref<800xi32, #tpu.memory_space<vmem>> -> memref<128xi32, #tpu.memory_space<vmem>>
      %dma_wait3A_111 = arith.constant 0 : i32
      %dma_wait3A_112 = arith.constant 0 : i32
      %dma_wait3A_113 = tpu.memref_slice %arg3[%dma_wait3A_111, %dma_wait3A_112] : memref<1000000x64xf32, #tpu.memory_space<hbm>> -> memref<1000000x64xf32, #tpu.memory_space<hbm>>
      tpu.wait_indirect_dma semaphore(%arg9 : memref<!tpu.dma_semaphore, #tpu.memory_space<semaphore_mem>>) src(%dma_wait3A_113 : memref<1000000x64xf32, #tpu.memory_space<hbm>>) dst(%dma_wait3A_108 : memref<128x64xf32, #tpu.memory_space<vmem>>)
      %dma_wait3A_114 = arith.constant 768 : i32
      %dma_wait3A_115 = arith.constant 0 : i32
      %dma_wait3A_116 = tpu.memref_slice %arg7[%dma_wait3A_114, %dma_wait3A_115] : memref<800x64xf32, #tpu.memory_space<vmem>> -> memref<32x64xf32, #tpu.memory_space<vmem>>
      %dma_wait3A_117 = arith.constant 768 : i32
      %dma_wait3A_118 = tpu.memref_slice %arg6[%dma_wait3A_117] : memref<800xi32, #tpu.memory_space<vmem>> -> memref<32xi32, #tpu.memory_space<vmem>>
      %dma_wait3A_119 = arith.constant 0 : i32
      %dma_wait3A_120 = arith.constant 0 : i32
      %dma_wait3A_121 = tpu.memref_slice %arg3[%dma_wait3A_119, %dma_wait3A_120] : memref<1000000x64xf32, #tpu.memory_space<hbm>> -> memref<1000000x64xf32, #tpu.memory_space<hbm>>
      tpu.wait_indirect_dma semaphore(%arg9 : memref<!tpu.dma_semaphore, #tpu.memory_space<semaphore_mem>>) src(%dma_wait3A_121 : memref<1000000x64xf32, #tpu.memory_space<hbm>>) dst(%dma_wait3A_116 : memref<32x64xf32, #tpu.memory_space<vmem>>)
      %scan3A_122 = arith.constant 0 : i32
      %scan3A_123 = arith.constant 0 : i32
      %scan3A_124 = arith.constant 200 : i32
      %scan3A_125 = arith.addi %scan3A_123, %scan3A_124 : i32
      %scan3A_126 = arith.constant 2 : i32
      scf.for %scan3A_128 = %scan3A_123 to %scan3A_125 step %scan3A_126  : i32 {
        %get3A = arith.index_cast %scan3A_128 : i32 to index
        %get3A_129 = arith.constant 0 : index
        %get3A_130 = tpu.vector_load %arg8[%get3A, %get3A_129] {strides = array<i32>} : memref<200x64xf32, #tpu.memory_space<vmem>>, vector<1x16xf32>,
        %get3A_131 = vector.shape_cast %get3A_130 : vector<1x16xf32> to vector<16xf32>
        %add3A_132 = arith.constant 0 : i32
        %add3A_133 = arith.addi %add3A_132, %scan3A_128 : i32
        %swap3A = arith.index_cast %add3A_133 : i32 to index
        %swap3A_134 = arith.constant 0 : index
        %swap3A_135 = tpu.vector_load %arg7[%swap3A, %swap3A_134] {strides = array<i32>} : memref<800x64xf32, #tpu.memory_space<vmem>>, vector<1x16xf32>,
        %swap3A_136 = vector.shape_cast %swap3A_135 : vector<1x16xf32> to vector<16xf32>
        %swap3A_137 = vector.shape_cast %get3A_131 : vector<16xf32> to vector<1x16xf32>
        tpu.vector_store %arg7[%swap3A, %swap3A_134], %swap3A_137 {add = true, strides = array<i32>} : memref<800x64xf32, #tpu.memory_space<vmem>>, vector<1x16xf32>,
        %add3A_138 = arith.constant 200 : i32
        %add3A_139 = arith.addi %add3A_138, %scan3A_128 : i32
        %swap3A_140 = arith.index_cast %add3A_139 : i32 to index
        %swap3A_141 = arith.constant 0 : index
        %swap3A_142 = tpu.vector_load %arg7[%swap3A_140, %swap3A_141] {strides = array<i32>} : memref<800x64xf32, #tpu.memory_space<vmem>>, vector<1x16xf32>,
        %swap3A_143 = vector.shape_cast %swap3A_142 : vector<1x16xf32> to vector<16xf32>
        %swap3A_144 = vector.shape_cast %get3A_131 : vector<16xf32> to vector<1x16xf32>
        tpu.vector_store %arg7[%swap3A_140, %swap3A_141], %swap3A_144 {add = true, strides = array<i32>} : memref<800x64xf32, #tpu.memory_space<vmem>>, vector<1x16xf32>,
        %add3A_145 = arith.constant 400 : i32
        %add3A_146 = arith.addi %add3A_145, %scan3A_128 : i32
        %swap3A_147 = arith.index_cast %add3A_146 : i32 to index
        %swap3A_148 = arith.constant 0 : index
        %swap3A_149 = tpu.vector_load %arg7[%swap3A_147, %swap3A_148] {strides = array<i32>} : memref<800x64xf32, #tpu.memory_space<vmem>>, vector<1x16xf32>,
        %swap3A_150 = vector.shape_cast %swap3A_149 : vector<1x16xf32> to vector<16xf32>
        %swap3A_151 = vector.shape_cast %get3A_131 : vector<16xf32> to vector<1x16xf32>
        tpu.vector_store %arg7[%swap3A_147, %swap3A_148], %swap3A_151 {add = true, strides = array<i32>} : memref<800x64xf32, #tpu.memory_space<vmem>>, vector<1x16xf32>,
        %add3A_152 = arith.constant 600 : i32
        %add3A_153 = arith.addi %add3A_152, %scan3A_128 : i32
        %swap3A_154 = arith.index_cast %add3A_153 : i32 to index
        %swap3A_155 = arith.constant 0 : index
        %swap3A_156 = tpu.vector_load %arg7[%swap3A_154, %swap3A_155] {strides = array<i32>} : memref<800x64xf32, #tpu.memory_space<vmem>>, vector<1x16xf32>,
        %swap3A_157 = vector.shape_cast %swap3A_156 : vector<1x16xf32> to vector<16xf32>
        %swap3A_158 = vector.shape_cast %get3A_131 : vector<16xf32> to vector<1x16xf32>
        tpu.vector_store %arg7[%swap3A_154, %swap3A_155], %swap3A_158 {add = true, strides = array<i32>} : memref<800x64xf32, #tpu.memory_space<vmem>>, vector<1x16xf32>,
        %get3A_159 = arith.index_cast %scan3A_128 : i32 to index
        %get3A_160 = arith.constant 16 : index
        %get3A_161 = tpu.vector_load %arg8[%get3A_159, %get3A_160] {strides = array<i32>} : memref<200x64xf32, #tpu.memory_space<vmem>>, vector<1x16xf32>,
        %get3A_162 = vector.shape_cast %get3A_161 : vector<1x16xf32> to vector<16xf32>
        %add3A_163 = arith.constant 0 : i32
        %add3A_164 = arith.addi %add3A_163, %scan3A_128 : i32
        %swap3A_165 = arith.index_cast %add3A_164 : i32 to index
        %swap3A_166 = arith.constant 16 : index
        %swap3A_167 = tpu.vector_load %arg7[%swap3A_165, %swap3A_166] {strides = array<i32>} : memref<800x64xf32, #tpu.memory_space<vmem>>, vector<1x16xf32>,
        %swap3A_168 = vector.shape_cast %swap3A_167 : vector<1x16xf32> to vector<16xf32>
        %swap3A_169 = vector.shape_cast %get3A_162 : vector<16xf32> to vector<1x16xf32>
        tpu.vector_store %arg7[%swap3A_165, %swap3A_166], %swap3A_169 {add = true, strides = array<i32>} : memref<800x64xf32, #tpu.memory_space<vmem>>, vector<1x16xf32>,
        %add3A_170 = arith.constant 200 : i32
        %add3A_171 = arith.addi %add3A_170, %scan3A_128 : i32
        %swap3A_172 = arith.index_cast %add3A_171 : i32 to index
        %swap3A_173 = arith.constant 16 : index
        %swap3A_174 = tpu.vector_load %arg7[%swap3A_172, %swap3A_173] {strides = array<i32>} : memref<800x64xf32, #tpu.memory_space<vmem>>, vector<1x16xf32>,
        %swap3A_175 = vector.shape_cast %swap3A_174 : vector<1x16xf32> to vector<16xf32>
        %swap3A_176 = vector.shape_cast %get3A_162 : vector<16xf32> to vector<1x16xf32>
        tpu.vector_store %arg7[%swap3A_172, %swap3A_173], %swap3A_176 {add = true, strides = array<i32>} : memref<800x64xf32, #tpu.memory_space<vmem>>, vector<1x16xf32>,
        %add3A_177 = arith.constant 400 : i32
        %add3A_178 = arith.addi %add3A_177, %scan3A_128 : i32
        %swap3A_179 = arith.index_cast %add3A_178 : i32 to index
        %swap3A_180 = arith.constant 16 : index
        %swap3A_181 = tpu.vector_load %arg7[%swap3A_179, %swap3A_180] {strides = array<i32>} : memref<800x64xf32, #tpu.memory_space<vmem>>, vector<1x16xf32>,
        %swap3A_182 = vector.shape_cast %swap3A_181 : vector<1x16xf32> to vector<16xf32>
        %swap3A_183 = vector.shape_cast %get3A_162 : vector<16xf32> to vector<1x16xf32>
        tpu.vector_store %arg7[%swap3A_179, %swap3A_180], %swap3A_183 {add = true, strides = array<i32>} : memref<800x64xf32, #tpu.memory_space<vmem>>, vector<1x16xf32>,
        %add3A_184 = arith.constant 600 : i32
        %add3A_185 = arith.addi %add3A_184, %scan3A_128 : i32
        %swap3A_186 = arith.index_cast %add3A_185 : i32 to index
        %swap3A_187 = arith.constant 16 : index
        %swap3A_188 = tpu.vector_load %arg7[%swap3A_186, %swap3A_187] {strides = array<i32>} : memref<800x64xf32, #tpu.memory_space<vmem>>, vector<1x16xf32>,
        %swap3A_189 = vector.shape_cast %swap3A_188 : vector<1x16xf32> to vector<16xf32>
        %swap3A_190 = vector.shape_cast %get3A_162 : vector<16xf32> to vector<1x16xf32>
        tpu.vector_store %arg7[%swap3A_186, %swap3A_187], %swap3A_190 {add = true, strides = array<i32>} : memref<800x64xf32, #tpu.memory_space<vmem>>, vector<1x16xf32>,
        %get3A_191 = arith.index_cast %scan3A_128 : i32 to index
        %get3A_192 = arith.constant 32 : index
        %get3A_193 = tpu.vector_load %arg8[%get3A_191, %get3A_192] {strides = array<i32>} : memref<200x64xf32, #tpu.memory_space<vmem>>, vector<1x16xf32>,
        %get3A_194 = vector.shape_cast %get3A_193 : vector<1x16xf32> to vector<16xf32>
        %add3A_195 = arith.constant 0 : i32
        %add3A_196 = arith.addi %add3A_195, %scan3A_128 : i32
        %swap3A_197 = arith.index_cast %add3A_196 : i32 to index
        %swap3A_198 = arith.constant 32 : index
        %swap3A_199 = tpu.vector_load %arg7[%swap3A_197, %swap3A_198] {strides = array<i32>} : memref<800x64xf32, #tpu.memory_space<vmem>>, vector<1x16xf32>,
        %swap3A_200 = vector.shape_cast %swap3A_199 : vector<1x16xf32> to vector<16xf32>
        %swap3A_201 = vector.shape_cast %get3A_194 : vector<16xf32> to vector<1x16xf32>
        tpu.vector_store %arg7[%swap3A_197, %swap3A_198], %swap3A_201 {add = true, strides = array<i32>} : memref<800x64xf32, #tpu.memory_space<vmem>>, vector<1x16xf32>,
        %add3A_202 = arith.constant 200 : i32
        %add3A_203 = arith.addi %add3A_202, %scan3A_128 : i32
        %swap3A_204 = arith.index_cast %add3A_203 : i32 to index
        %swap3A_205 = arith.constant 32 : index
        %swap3A_206 = tpu.vector_load %arg7[%swap3A_204, %swap3A_205] {strides = array<i32>} : memref<800x64xf32, #tpu.memory_space<vmem>>, vector<1x16xf32>,
        %swap3A_207 = vector.shape_cast %swap3A_206 : vector<1x16xf32> to vector<16xf32>
        %swap3A_208 = vector.shape_cast %get3A_194 : vector<16xf32> to vector<1x16xf32>
        tpu.vector_store %arg7[%swap3A_204, %swap3A_205], %swap3A_208 {add = true, strides = array<i32>} : memref<800x64xf32, #tpu.memory_space<vmem>>, vector<1x16xf32>,
        %add3A_209 = arith.constant 400 : i32
        %add3A_210 = arith.addi %add3A_209, %scan3A_128 : i32
        %swap3A_211 = arith.index_cast %add3A_210 : i32 to index
        %swap3A_212 = arith.constant 32 : index
        %swap3A_213 = tpu.vector_load %arg7[%swap3A_211, %swap3A_212] {strides = array<i32>} : memref<800x64xf32, #tpu.memory_space<vmem>>, vector<1x16xf32>,
        %swap3A_214 = vector.shape_cast %swap3A_213 : vector<1x16xf32> to vector<16xf32>
        %swap3A_215 = vector.shape_cast %get3A_194 : vector<16xf32> to vector<1x16xf32>
        tpu.vector_store %arg7[%swap3A_211, %swap3A_212], %swap3A_215 {add = true, strides = array<i32>} : memref<800x64xf32, #tpu.memory_space<vmem>>, vector<1x16xf32>,
        %add3A_216 = arith.constant 600 : i32
        %add3A_217 = arith.addi %add3A_216, %scan3A_128 : i32
        %swap3A_218 = arith.index_cast %add3A_217 : i32 to index
        %swap3A_219 = arith.constant 32 : index
        %swap3A_220 = tpu.vector_load %arg7[%swap3A_218, %swap3A_219] {strides = array<i32>} : memref<800x64xf32, #tpu.memory_space<vmem>>, vector<1x16xf32>,
        %swap3A_221 = vector.shape_cast %swap3A_220 : vector<1x16xf32> to vector<16xf32>
        %swap3A_222 = vector.shape_cast %get3A_194 : vector<16xf32> to vector<1x16xf32>
        tpu.vector_store %arg7[%swap3A_218, %swap3A_219], %swap3A_222 {add = true, strides = array<i32>} : memref<800x64xf32, #tpu.memory_space<vmem>>, vector<1x16xf32>,
        %get3A_223 = arith.index_cast %scan3A_128 : i32 to index
        %get3A_224 = arith.constant 48 : index
        %get3A_225 = tpu.vector_load %arg8[%get3A_223, %get3A_224] {strides = array<i32>} : memref<200x64xf32, #tpu.memory_space<vmem>>, vector<1x16xf32>,
        %get3A_226 = vector.shape_cast %get3A_225 : vector<1x16xf32> to vector<16xf32>
        %add3A_227 = arith.constant 0 : i32
        %add3A_228 = arith.addi %add3A_227, %scan3A_128 : i32
        %swap3A_229 = arith.index_cast %add3A_228 : i32 to index
        %swap3A_230 = arith.constant 48 : index
        %swap3A_231 = tpu.vector_load %arg7[%swap3A_229, %swap3A_230] {strides = array<i32>} : memref<800x64xf32, #tpu.memory_space<vmem>>, vector<1x16xf32>,
        %swap3A_232 = vector.shape_cast %swap3A_231 : vector<1x16xf32> to vector<16xf32>
        %swap3A_233 = vector.shape_cast %get3A_226 : vector<16xf32> to vector<1x16xf32>
        tpu.vector_store %arg7[%swap3A_229, %swap3A_230], %swap3A_233 {add = true, strides = array<i32>} : memref<800x64xf32, #tpu.memory_space<vmem>>, vector<1x16xf32>,
        %add3A_234 = arith.constant 200 : i32
        %add3A_235 = arith.addi %add3A_234, %scan3A_128 : i32
        %swap3A_236 = arith.index_cast %add3A_235 : i32 to index
        %swap3A_237 = arith.constant 48 : index
        %swap3A_238 = tpu.vector_load %arg7[%swap3A_236, %swap3A_237] {strides = array<i32>} : memref<800x64xf32, #tpu.memory_space<vmem>>, vector<1x16xf32>,
        %swap3A_239 = vector.shape_cast %swap3A_238 : vector<1x16xf32> to vector<16xf32>
        %swap3A_240 = vector.shape_cast %get3A_226 : vector<16xf32> to vector<1x16xf32>
        tpu.vector_store %arg7[%swap3A_236, %swap3A_237], %swap3A_240 {add = true, strides = array<i32>} : memref<800x64xf32, #tpu.memory_space<vmem>>, vector<1x16xf32>,
        %add3A_241 = arith.constant 400 : i32
        %add3A_242 = arith.addi %add3A_241, %scan3A_128 : i32
        %swap3A_243 = arith.index_cast %add3A_242 : i32 to index
        %swap3A_244 = arith.constant 48 : index
        %swap3A_245 = tpu.vector_load %arg7[%swap3A_243, %swap3A_244] {strides = array<i32>} : memref<800x64xf32, #tpu.memory_space<vmem>>, vector<1x16xf32>,
        %swap3A_246 = vector.shape_cast %swap3A_245 : vector<1x16xf32> to vector<16xf32>
        %swap3A_247 = vector.shape_cast %get3A_226 : vector<16xf32> to vector<1x16xf32>
        tpu.vector_store %arg7[%swap3A_243, %swap3A_244], %swap3A_247 {add = true, strides = array<i32>} : memref<800x64xf32, #tpu.memory_space<vmem>>, vector<1x16xf32>,
        %add3A_248 = arith.constant 600 : i32
        %add3A_249 = arith.addi %add3A_248, %scan3A_128 : i32
        %swap3A_250 = arith.index_cast %add3A_249 : i32 to index
        %swap3A_251 = arith.constant 48 : index
        %swap3A_252 = tpu.vector_load %arg7[%swap3A_250, %swap3A_251] {strides = array<i32>} : memref<800x64xf32, #tpu.memory_space<vmem>>, vector<1x16xf32>,
        %swap3A_253 = vector.shape_cast %swap3A_252 : vector<1x16xf32> to vector<16xf32>
        %swap3A_254 = vector.shape_cast %get3A_226 : vector<16xf32> to vector<1x16xf32>
        tpu.vector_store %arg7[%swap3A_250, %swap3A_251], %swap3A_254 {add = true, strides = array<i32>} : memref<800x64xf32, #tpu.memory_space<vmem>>, vector<1x16xf32>,
        %scan3A_255 = arith.constant 1 : i32
        %scan3A_256 = arith.addi %scan3A_128, %scan3A_255 : i32
        %get3A_257 = arith.index_cast %scan3A_256 : i32 to index
        %get3A_258 = arith.constant 0 : index
        %get3A_259 = tpu.vector_load %arg8[%get3A_257, %get3A_258] {strides = array<i32>} : memref<200x64xf32, #tpu.memory_space<vmem>>, vector<1x16xf32>,
        %get3A_260 = vector.shape_cast %get3A_259 : vector<1x16xf32> to vector<16xf32>
        %add3A_261 = arith.constant 0 : i32
        %add3A_262 = arith.addi %add3A_261, %scan3A_256 : i32
        %swap3A_263 = arith.index_cast %add3A_262 : i32 to index
        %swap3A_264 = arith.constant 0 : index
        %swap3A_265 = tpu.vector_load %arg7[%swap3A_263, %swap3A_264] {strides = array<i32>} : memref<800x64xf32, #tpu.memory_space<vmem>>, vector<1x16xf32>,
        %swap3A_266 = vector.shape_cast %swap3A_265 : vector<1x16xf32> to vector<16xf32>
        %swap3A_267 = vector.shape_cast %get3A_260 : vector<16xf32> to vector<1x16xf32>
        tpu.vector_store %arg7[%swap3A_263, %swap3A_264], %swap3A_267 {add = true, strides = array<i32>} : memref<800x64xf32, #tpu.memory_space<vmem>>, vector<1x16xf32>,
        %add3A_268 = arith.constant 200 : i32
        %add3A_269 = arith.addi %add3A_268, %scan3A_256 : i32
        %swap3A_270 = arith.index_cast %add3A_269 : i32 to index
        %swap3A_271 = arith.constant 0 : index
        %swap3A_272 = tpu.vector_load %arg7[%swap3A_270, %swap3A_271] {strides = array<i32>} : memref<800x64xf32, #tpu.memory_space<vmem>>, vector<1x16xf32>,
        %swap3A_273 = vector.shape_cast %swap3A_272 : vector<1x16xf32> to vector<16xf32>
        %swap3A_274 = vector.shape_cast %get3A_260 : vector<16xf32> to vector<1x16xf32>
        tpu.vector_store %arg7[%swap3A_270, %swap3A_271], %swap3A_274 {add = true, strides = array<i32>} : memref<800x64xf32, #tpu.memory_space<vmem>>, vector<1x16xf32>,
        %add3A_275 = arith.constant 400 : i32
        %add3A_276 = arith.addi %add3A_275, %scan3A_256 : i32
        %swap3A_277 = arith.index_cast %add3A_276 : i32 to index
        %swap3A_278 = arith.constant 0 : index
        %swap3A_279 = tpu.vector_load %arg7[%swap3A_277, %swap3A_278] {strides = array<i32>} : memref<800x64xf32, #tpu.memory_space<vmem>>, vector<1x16xf32>,
        %swap3A_280 = vector.shape_cast %swap3A_279 : vector<1x16xf32> to vector<16xf32>
        %swap3A_281 = vector.shape_cast %get3A_260 : vector<16xf32> to vector<1x16xf32>
        tpu.vector_store %arg7[%swap3A_277, %swap3A_278], %swap3A_281 {add = true, strides = array<i32>} : memref<800x64xf32, #tpu.memory_space<vmem>>, vector<1x16xf32>,
        %add3A_282 = arith.constant 600 : i32
        %add3A_283 = arith.addi %add3A_282, %scan3A_256 : i32
        %swap3A_284 = arith.index_cast %add3A_283 : i32 to index
        %swap3A_285 = arith.constant 0 : index
        %swap3A_286 = tpu.vector_load %arg7[%swap3A_284, %swap3A_285] {strides = array<i32>} : memref<800x64xf32, #tpu.memory_space<vmem>>, vector<1x16xf32>,
        %swap3A_287 = vector.shape_cast %swap3A_286 : vector<1x16xf32> to vector<16xf32>
        %swap3A_288 = vector.shape_cast %get3A_260 : vector<16xf32> to vector<1x16xf32>
        tpu.vector_store %arg7[%swap3A_284, %swap3A_285], %swap3A_288 {add = true, strides = array<i32>} : memref<800x64xf32, #tpu.memory_space<vmem>>, vector<1x16xf32>,
        %get3A_289 = arith.index_cast %scan3A_256 : i32 to index
        %get3A_290 = arith.constant 16 : index
        %get3A_291 = tpu.vector_load %arg8[%get3A_289, %get3A_290] {strides = array<i32>} : memref<200x64xf32, #tpu.memory_space<vmem>>, vector<1x16xf32>,
        %get3A_292 = vector.shape_cast %get3A_291 : vector<1x16xf32> to vector<16xf32>
        %add3A_293 = arith.constant 0 : i32
        %add3A_294 = arith.addi %add3A_293, %scan3A_256 : i32
        %swap3A_295 = arith.index_cast %add3A_294 : i32 to index
        %swap3A_296 = arith.constant 16 : index
        %swap3A_297 = tpu.vector_load %arg7[%swap3A_295, %swap3A_296] {strides = array<i32>} : memref<800x64xf32, #tpu.memory_space<vmem>>, vector<1x16xf32>,
        %swap3A_298 = vector.shape_cast %swap3A_297 : vector<1x16xf32> to vector<16xf32>
        %swap3A_299 = vector.shape_cast %get3A_292 : vector<16xf32> to vector<1x16xf32>
        tpu.vector_store %arg7[%swap3A_295, %swap3A_296], %swap3A_299 {add = true, strides = array<i32>} : memref<800x64xf32, #tpu.memory_space<vmem>>, vector<1x16xf32>,
        %add3A_300 = arith.constant 200 : i32
        %add3A_301 = arith.addi %add3A_300, %scan3A_256 : i32
        %swap3A_302 = arith.index_cast %add3A_301 : i32 to index
        %swap3A_303 = arith.constant 16 : index
        %swap3A_304 = tpu.vector_load %arg7[%swap3A_302, %swap3A_303] {strides = array<i32>} : memref<800x64xf32, #tpu.memory_space<vmem>>, vector<1x16xf32>,
        %swap3A_305 = vector.shape_cast %swap3A_304 : vector<1x16xf32> to vector<16xf32>
        %swap3A_306 = vector.shape_cast %get3A_292 : vector<16xf32> to vector<1x16xf32>
        tpu.vector_store %arg7[%swap3A_302, %swap3A_303], %swap3A_306 {add = true, strides = array<i32>} : memref<800x64xf32, #tpu.memory_space<vmem>>, vector<1x16xf32>,
        %add3A_307 = arith.constant 400 : i32
        %add3A_308 = arith.addi %add3A_307, %scan3A_256 : i32
        %swap3A_309 = arith.index_cast %add3A_308 : i32 to index
        %swap3A_310 = arith.constant 16 : index
        %swap3A_311 = tpu.vector_load %arg7[%swap3A_309, %swap3A_310] {strides = array<i32>} : memref<800x64xf32, #tpu.memory_space<vmem>>, vector<1x16xf32>,
        %swap3A_312 = vector.shape_cast %swap3A_311 : vector<1x16xf32> to vector<16xf32>
        %swap3A_313 = vector.shape_cast %get3A_292 : vector<16xf32> to vector<1x16xf32>
        tpu.vector_store %arg7[%swap3A_309, %swap3A_310], %swap3A_313 {add = true, strides = array<i32>} : memref<800x64xf32, #tpu.memory_space<vmem>>, vector<1x16xf32>,
        %add3A_314 = arith.constant 600 : i32
        %add3A_315 = arith.addi %add3A_314, %scan3A_256 : i32
        %swap3A_316 = arith.index_cast %add3A_315 : i32 to index
        %swap3A_317 = arith.constant 16 : index
        %swap3A_318 = tpu.vector_load %arg7[%swap3A_316, %swap3A_317] {strides = array<i32>} : memref<800x64xf32, #tpu.memory_space<vmem>>, vector<1x16xf32>,
        %swap3A_319 = vector.shape_cast %swap3A_318 : vector<1x16xf32> to vector<16xf32>
        %swap3A_320 = vector.shape_cast %get3A_292 : vector<16xf32> to vector<1x16xf32>
        tpu.vector_store %arg7[%swap3A_316, %swap3A_317], %swap3A_320 {add = true, strides = array<i32>} : memref<800x64xf32, #tpu.memory_space<vmem>>, vector<1x16xf32>,
        %get3A_321 = arith.index_cast %scan3A_256 : i32 to index
        %get3A_322 = arith.constant 32 : index
        %get3A_323 = tpu.vector_load %arg8[%get3A_321, %get3A_322] {strides = array<i32>} : memref<200x64xf32, #tpu.memory_space<vmem>>, vector<1x16xf32>,
        %get3A_324 = vector.shape_cast %get3A_323 : vector<1x16xf32> to vector<16xf32>
        %add3A_325 = arith.constant 0 : i32
        %add3A_326 = arith.addi %add3A_325, %scan3A_256 : i32
        %swap3A_327 = arith.index_cast %add3A_326 : i32 to index
        %swap3A_328 = arith.constant 32 : index
        %swap3A_329 = tpu.vector_load %arg7[%swap3A_327, %swap3A_328] {strides = array<i32>} : memref<800x64xf32, #tpu.memory_space<vmem>>, vector<1x16xf32>,
        %swap3A_330 = vector.shape_cast %swap3A_329 : vector<1x16xf32> to vector<16xf32>
        %swap3A_331 = vector.shape_cast %get3A_324 : vector<16xf32> to vector<1x16xf32>
        tpu.vector_store %arg7[%swap3A_327, %swap3A_328], %swap3A_331 {add = true, strides = array<i32>} : memref<800x64xf32, #tpu.memory_space<vmem>>, vector<1x16xf32>,
        %add3A_332 = arith.constant 200 : i32
        %add3A_333 = arith.addi %add3A_332, %scan3A_256 : i32
        %swap3A_334 = arith.index_cast %add3A_333 : i32 to index
        %swap3A_335 = arith.constant 32 : index
        %swap3A_336 = tpu.vector_load %arg7[%swap3A_334, %swap3A_335] {strides = array<i32>} : memref<800x64xf32, #tpu.memory_space<vmem>>, vector<1x16xf32>,
        %swap3A_337 = vector.shape_cast %swap3A_336 : vector<1x16xf32> to vector<16xf32>
        %swap3A_338 = vector.shape_cast %get3A_324 : vector<16xf32> to vector<1x16xf32>
        tpu.vector_store %arg7[%swap3A_334, %swap3A_335], %swap3A_338 {add = true, strides = array<i32>} : memref<800x64xf32, #tpu.memory_space<vmem>>, vector<1x16xf32>,
        %add3A_339 = arith.constant 400 : i32
        %add3A_340 = arith.addi %add3A_339, %scan3A_256 : i32
        %swap3A_341 = arith.index_cast %add3A_340 : i32 to index
        %swap3A_342 = arith.constant 32 : index
        %swap3A_343 = tpu.vector_load %arg7[%swap3A_341, %swap3A_342] {strides = array<i32>} : memref<800x64xf32, #tpu.memory_space<vmem>>, vector<1x16xf32>,
        %swap3A_344 = vector.shape_cast %swap3A_343 : vector<1x16xf32> to vector<16xf32>
        %swap3A_345 = vector.shape_cast %get3A_324 : vector<16xf32> to vector<1x16xf32>
        tpu.vector_store %arg7[%swap3A_341, %swap3A_342], %swap3A_345 {add = true, strides = array<i32>} : memref<800x64xf32, #tpu.memory_space<vmem>>, vector<1x16xf32>,
        %add3A_346 = arith.constant 600 : i32
        %add3A_347 = arith.addi %add3A_346, %scan3A_256 : i32
        %swap3A_348 = arith.index_cast %add3A_347 : i32 to index
        %swap3A_349 = arith.constant 32 : index
        %swap3A_350 = tpu.vector_load %arg7[%swap3A_348, %swap3A_349] {strides = array<i32>} : memref<800x64xf32, #tpu.memory_space<vmem>>, vector<1x16xf32>,
        %swap3A_351 = vector.shape_cast %swap3A_350 : vector<1x16xf32> to vector<16xf32>
        %swap3A_352 = vector.shape_cast %get3A_324 : vector<16xf32> to vector<1x16xf32>
        tpu.vector_store %arg7[%swap3A_348, %swap3A_349], %swap3A_352 {add = true, strides = array<i32>} : memref<800x64xf32, #tpu.memory_space<vmem>>, vector<1x16xf32>,
        %get3A_353 = arith.index_cast %scan3A_256 : i32 to index
        %get3A_354 = arith.constant 48 : index
        %get3A_355 = tpu.vector_load %arg8[%get3A_353, %get3A_354] {strides = array<i32>} : memref<200x64xf32, #tpu.memory_space<vmem>>, vector<1x16xf32>,
        %get3A_356 = vector.shape_cast %get3A_355 : vector<1x16xf32> to vector<16xf32>
        %add3A_357 = arith.constant 0 : i32
        %add3A_358 = arith.addi %add3A_357, %scan3A_256 : i32
        %swap3A_359 = arith.index_cast %add3A_358 : i32 to index
        %swap3A_360 = arith.constant 48 : index
        %swap3A_361 = tpu.vector_load %arg7[%swap3A_359, %swap3A_360] {strides = array<i32>} : memref<800x64xf32, #tpu.memory_space<vmem>>, vector<1x16xf32>,
        %swap3A_362 = vector.shape_cast %swap3A_361 : vector<1x16xf32> to vector<16xf32>
        %swap3A_363 = vector.shape_cast %get3A_356 : vector<16xf32> to vector<1x16xf32>
        tpu.vector_store %arg7[%swap3A_359, %swap3A_360], %swap3A_363 {add = true, strides = array<i32>} : memref<800x64xf32, #tpu.memory_space<vmem>>, vector<1x16xf32>,
        %add3A_364 = arith.constant 200 : i32
        %add3A_365 = arith.addi %add3A_364, %scan3A_256 : i32
        %swap3A_366 = arith.index_cast %add3A_365 : i32 to index
        %swap3A_367 = arith.constant 48 : index
        %swap3A_368 = tpu.vector_load %arg7[%swap3A_366, %swap3A_367] {strides = array<i32>} : memref<800x64xf32, #tpu.memory_space<vmem>>, vector<1x16xf32>,
        %swap3A_369 = vector.shape_cast %swap3A_368 : vector<1x16xf32> to vector<16xf32>
        %swap3A_370 = vector.shape_cast %get3A_356 : vector<16xf32> to vector<1x16xf32>
        tpu.vector_store %arg7[%swap3A_366, %swap3A_367], %swap3A_370 {add = true, strides = array<i32>} : memref<800x64xf32, #tpu.memory_space<vmem>>, vector<1x16xf32>,
        %add3A_371 = arith.constant 400 : i32
        %add3A_372 = arith.addi %add3A_371, %scan3A_256 : i32
        %swap3A_373 = arith.index_cast %add3A_372 : i32 to index
        %swap3A_374 = arith.constant 48 : index
        %swap3A_375 = tpu.vector_load %arg7[%swap3A_373, %swap3A_374] {strides = array<i32>} : memref<800x64xf32, #tpu.memory_space<vmem>>, vector<1x16xf32>,
        %swap3A_376 = vector.shape_cast %swap3A_375 : vector<1x16xf32> to vector<16xf32>
        %swap3A_377 = vector.shape_cast %get3A_356 : vector<16xf32> to vector<1x16xf32>
        tpu.vector_store %arg7[%swap3A_373, %swap3A_374], %swap3A_377 {add = true, strides = array<i32>} : memref<800x64xf32, #tpu.memory_space<vmem>>, vector<1x16xf32>,
        %add3A_378 = arith.constant 600 : i32
        %add3A_379 = arith.addi %add3A_378, %scan3A_256 : i32
        %swap3A_380 = arith.index_cast %add3A_379 : i32 to index
        %swap3A_381 = arith.constant 48 : index
        %swap3A_382 = tpu.vector_load %arg7[%swap3A_380, %swap3A_381] {strides = array<i32>} : memref<800x64xf32, #tpu.memory_space<vmem>>, vector<1x16xf32>,
        %swap3A_383 = vector.shape_cast %swap3A_382 : vector<1x16xf32> to vector<16xf32>
        %swap3A_384 = vector.shape_cast %get3A_356 : vector<16xf32> to vector<1x16xf32>
        tpu.vector_store %arg7[%swap3A_380, %swap3A_381], %swap3A_384 {add = true, strides = array<i32>} : memref<800x64xf32, #tpu.memory_space<vmem>>, vector<1x16xf32>,
      }
      %scan3A_127 = arith.constant 200 : i32
      "tpu.region"() ({
        %run_scoped3A = tpu.sem_alloc : memref<!tpu.dma_semaphore, #tpu.memory_space<semaphore_mem>>
        %dma_start3A_128 = arith.constant 0 : i32
        %dma_start3A_129 = tpu.memref_slice %arg5[%add3A_11, %dma_start3A_128] : memref<204800x64xf32, #tpu.memory_space<hbm>> -> memref<800x64xf32, #tpu.memory_space<hbm>>
        %dma_start3A_130 = arith.constant 0 : i32
        %dma_start3A_131 = tpu.memref_slice %arg5[%add3A_11, %dma_start3A_130] : memref<204800x64xf32, #tpu.memory_space<hbm>> -> memref<800x64xf32, #tpu.memory_space<hbm>>
        tpu.enqueue_dma source(%arg7 : memref<800x64xf32, #tpu.memory_space<vmem>>) target(%dma_start3A_131 : memref<800x64xf32, #tpu.memory_space<hbm>>) target_semaphore(%run_scoped3A : memref<!tpu.dma_semaphore, #tpu.memory_space<semaphore_mem>>)
        %dma_wait3A_132 = arith.constant 0 : i32
        %dma_wait3A_133 = tpu.memref_slice %arg5[%add3A_11, %dma_wait3A_132] : memref<204800x64xf32, #tpu.memory_space<hbm>> -> memref<800x64xf32, #tpu.memory_space<hbm>>
        %dma_wait3A_134 = arith.constant 0 : i32
        %dma_wait3A_135 = tpu.memref_slice %arg5[%add3A_11, %dma_wait3A_134] : memref<204800x64xf32, #tpu.memory_space<hbm>> -> memref<800x64xf32, #tpu.memory_space<hbm>>
        tpu.wait_dma2 semaphore(%run_scoped3A : memref<!tpu.dma_semaphore, #tpu.memory_space<semaphore_mem>>) src(%arg7 : memref<800x64xf32, #tpu.memory_space<vmem>>) dst(%dma_wait3A_135 : memref<800x64xf32, #tpu.memory_space<hbm>>)
        tpu.yield
      }) : () -> ()
    }
    %scan3A_7 = arith.constant 8 : i32
    return
  }
}

</mosaic_0001>

<sc_bundles>
// kernel: _run.3.cloned.1.call-start
scs
__scs_entry_jumppad:
0x0: {  	(pc) =	sbr.rel $0x88, $3  }
0x1: {  	(tag) =	ssettag $0x0;
	lr =	simm.s32 $0x1  }
0x2: {  	[smem:$0x3F9E] =	sst lr;
	_ =	strace $0xD0000000  }
0x3: {  	_ = 	snop  }
0x4: {  	_ = 	snop  }
0x5: {  	_ = 	snop  }
0x6: {  	_ = 	snop  }
0x7: {  	_ = 	snop  }
__scs_overlays_trampoline_lowered:
0x8: {  	[smem:$0x3FAD] =	sst s0  }
0x9: {  	[smem:$0x3FAE] =	sst s1  }
0xa: {  	[smem:$0x3FAF] =	sst s2  }
0xb: {  	[smem:$0x3FB0] =	sst s3  }
0xc: {  	[smem:$0x3FB1] =	sst s4  }
0xd: {  	[smem:$0x3FB2] =	sst s5  }
0xe: {  	[smem:$0x3FB3] =	sst s6  }
0xf: {  	[smem:$0x3FB4] =	sst s7  }
0x10: {  	[smem:$0x3FB5] =	sst s8  }
0x11: {  	[smem:$0x3FB6] =	sst s9;
	s0 =	simm.s32 @!p0 $0x0  }
0x12: {  	s1 =	sld [smem:$0x3F9C];
	s0 =	simm.s32 @p0 $0x1  }
0x13: {  	[smem:$0x3FB7] =	sst s0;
	s0 =	simm.s32 @!p1 $0x0  }
0x14: {  	s2 =	sld [smem:$0x3F9B];
	s0 =	simm.s32 @p1 $0x1  }
0x15: {  	[smem:$0x3FB8] =	sst s0;
	s0 =	simm.s32 @!p2 $0x0  }
0x16: {  	s3 =	sld [smem:$0x3FDB];
	s0 =	simm.s32 @p2 $0x1  }
0x17: {  	s4 =	simm.s32 $0x1BF5;
	[smem:$0x3FBA] =	sst s0  }
0x18: {  	s0 =	sld [smem:$0x3F9D];
	_ =	swait.ge [sflag:s4], $0x0  }
0x19: {  	s7 =	sld [smem:$0x3F9E]  }
0x1a: {  	s8 =	sadd.s32 $0xFFFFE003, lr  }
0x1b: {  	s9 =	sadd.s32 $0xFFFFFEF7, lr;
	s5 =	simm.s32 $0xFFFFFFFF;
	p2 =	slt.u32 s8, $0xFFFFF086  }
0x1c: {  	p1 =	slt.u32 s9, $0xF7A;
	s5 =	simm.s32 @!p2 $0x0  }
0x1d: {  	s5 =	simm.s32 @p1 $0x1;
	p0 =	seq.s32 s7, s2  }
0x1e: {  	s7 =	smul.u32 @!p0 $0xF7A, s2;
	p2 =	seq.s32 @!p0 s5, $0x0  }
0x1f: {  	s9 =	smul.u32 $0xF7A, s1;
	s8 =	simm.s32 @!p0 $0x1BF5;
	p2 =	por !p2, p0  }
0x20: {  	[sflag:s8] =	ssyncset.s32 @!p0 $0xFFFFF086;
	s6 =	sadd.s32 @!p0 s3, s7;
	s7 =	simm.s32 @!p0 $0x108  }
0x21: {  	s3 =	sadd.s32 s3, s9;
	s6 =	sadd.s32 @!p0 $0x88, s6;
	s7 =	simm.s32 @p2 $0x1082  }
0x22: {  	[simem:s7], [sflag:s8] =	dma.local @!p0 [hbm:s6], $0xF7A  }
0x23: {  	s9 =	sor.u32 $0xD0000000, s2;
	s6 =	simm.s32 $0x108;
	_ =	swait.ge @!p0 [sflag:s8], $0x0  }
0x24: {  	s3 =	sadd.s32 $0x88, s3;
	s6 =	simm.s32 @!p1 $0x1082;
	[sflag:s4] =	ssyncset.s32 $0xFFFFF086  }
0x25: {  	[simem:s6], [sflag:s4] =	dma.local [hbm:s3], $0xF7A  }
0x26: {  	[smem:$0x3F9E] =	sst s1;
	(tag) =	ssettag s2;
	_ =	strace s9  }
0x27: {  	s1 =	sld [smem:$0x3FAE]  }
0x28: {  	s2 =	sld [smem:$0x3FAF]  }
0x29: {  	s4 =	sld [smem:$0x3FB1]  }
0x2a: {  	p0 =	seq.s32 s5, $0x0;
	s5 =	sld [smem:$0x3FB2]  }
0x2b: {  	s6 =	sld [smem:$0x3FB3]  }
0x2c: {  	s7 =	sld [smem:$0x3FB4]  }
0x2d: {  	s3 =	simm.s32 $0x108;
	s8 =	sld [smem:$0x3FB5]  }
0x2e: {  	s3 =	simm.s32 @!p0 $0x1082;
	s9 =	sld [smem:$0x3FB6]  }
0x2f: {  	lr =	sadd.s32 s0, s3;
	s0 =	sld [smem:$0x3FAD]  }
0x30: {  	s3 =	sld [smem:$0x3FB0]  }
0x31: {  	[smem:$0x3FB9] =	sst s10  }
0x32: {  	s10 =	sld [smem:$0x3FB7];
	_ =	sdelay $0x3  }
0x33: {  	p0 =	seq.s32 s10, $0x1;
	s10 =	sld [smem:$0x3FB9];
	_ =	sdelay $0x3  }
0x34: {  	[smem:$0x3FB9] =	sst s10  }
0x35: {  	s10 =	sld [smem:$0x3FB8];
	_ =	sdelay $0x3  }
0x36: {  	p1 =	seq.s32 s10, $0x1;
	s10 =	sld [smem:$0x3FB9];
	_ =	sdelay $0x3  }
0x37: {  	[smem:$0x3FB9] =	sst s10  }
0x38: {  	s10 =	sld [smem:$0x3FBA]  }
0x39: {  	_ = 	snop;
	(pc) =	sbr.ind lr, $3  }
0x3a: {  	_ = 	snop  }
0x3b: {  	_ = 	snop  }
0x3c: {  	p2 =	seq.s32 s10, $0x1;
	s10 =	sld [smem:$0x3FB9]  }
0x3d: {  	_ =	shalt  }
0x3e: {  	_ =	shalt  }
0x3f: {  	_ =	shalt  }
0x40: {  	_ =	shalt  }
0x41: {  	_ =	shalt  }
0x42: {  	_ =	shalt  }
0x43: {  	_ =	shalt  }
0x44: {  	_ =	shalt  }
0x45: {  	_ =	shalt  }
0x46: {  	_ =	shalt  }
0x47: {  	_ =	shalt  }
0x48: {  	_ =	shalt  }
0x49: {  	_ =	shalt  }
0x4a: {  	_ =	shalt  }
0x4b: {  	_ =	shalt  }
0x4c: {  	_ =	shalt  }
0x4d: {  	_ =	shalt  }
0x4e: {  	_ =	shalt  }
0x4f: {  	_ =	shalt  }
0x50: {  	_ =	shalt  }
0x51: {  	_ =	shalt  }
0x52: {  	_ =	shalt  }
0x53: {  	_ =	shalt  }
0x54: {  	_ =	shalt  }
0x55: {  	_ =	shalt  }
0x56: {  	_ =	shalt  }
0x57: {  	_ =	shalt  }
0x58: {  	_ =	shalt  }
0x59: {  	_ =	shalt  }
0x5a: {  	_ =	shalt  }
0x5b: {  	_ =	shalt  }
0x5c: {  	_ =	shalt  }
0x5d: {  	_ =	shalt  }
0x5e: {  	_ =	shalt  }
0x5f: {  	_ =	shalt  }
0x60: {  	_ =	shalt  }
0x61: {  	_ =	shalt  }
0x62: {  	_ =	shalt  }
0x63: {  	_ =	shalt  }
0x64: {  	_ =	shalt  }
0x65: {  	_ =	shalt  }
0x66: {  	_ =	shalt  }
0x67: {  	_ =	shalt  }
0x68: {  	_ =	shalt  }
0x69: {  	_ =	shalt  }
0x6a: {  	_ =	shalt  }
0x6b: {  	_ =	shalt  }
0x6c: {  	_ =	shalt  }
0x6d: {  	_ =	shalt  }
0x6e: {  	_ =	shalt  }
0x6f: {  	_ =	shalt  }
0x70: {  	_ =	shalt  }
0x71: {  	_ =	shalt  }
0x72: {  	_ =	shalt  }
0x73: {  	_ =	shalt  }
0x74: {  	_ =	shalt  }
0x75: {  	_ =	shalt  }
0x76: {  	_ =	shalt  }
0x77: {  	_ =	shalt  }
0x78: {  	_ =	shalt  }
0x79: {  	_ =	shalt  }
0x7a: {  	_ =	shalt  }
0x7b: {  	_ =	shalt  }
0x7c: {  	_ =	shalt  }
0x7d: {  	_ =	shalt  }
0x7e: {  	_ =	shalt  }
0x7f: {  	_ =	shalt  }
0x80: {  	_ =	shalt  }
0x81: {  	_ =	shalt  }
0x82: {  	_ =	shalt  }
0x83: {  	_ =	shalt  }
0x84: {  	_ =	shalt  }
0x85: {  	_ =	shalt  }
0x86: {  	_ =	shalt  }
0x87: {  	_ =	shalt  }
.Lfunc_end0:
.L_simem_size_0:
called_computation.1_lowered:
.L_overlay_start_0:
0x88: {  	s2 =	sld [smem:$0x3FD9]  }
0x89: {  	s3 =	sld [smem:$0x3FFE];
	_ =	sdelay $0x1  }
0x8a: {  	s1 =	srdreg.scid  }
0x8b: {  	s0 =	sand.u32 $0x1, s1  }
0x8c: {  	s17 =	sshll.u32 s0, $0xA;
	s2 =	sadd.s32 s3, s2  }
0x8d: {  	s2 =	sadd.s32 s2, s17  }
0x8e: {  	[smem:$0x3FC5] =	sst s2  }
0x8f: {  	_ = 	snop  }
0x90: {  	s2 =	sld [smem:$0x3FC9]  }
0x91: {  	s18 =	sld [smem:$0x3FD0];
	(tm) =	ssettm $0x1  }
0x92: {  	s4 =	sld [smem:$0x3FFB];
	_ =	sdelay $0x3  }
0x93: {  	_ =	strace s4  }
0x94: {  	s4 =	sld [smem:$0x3FFC];
	_ =	sdelay $0x3  }
0x95: {  	_ =	strace s4  }
0x96: {  	s4 =	sld [smem:$0x3FFD];
	_ =	sdelay $0x3  }
0x97: {  	_ =	strace s4  }
0x98: {  	_ =	strace $0x8FFFFFFF  }
0x99: {  	s19 =	sld [smem:$0x3FDB];
	_ =	sdelay $0x1  }
0x9a: {  	s5 =	simm.s32 $_scs_section_size  }
0x9b: {  	s6 =	simm.s32 $_size__tile_overlayer_lowered;
	s7 =	simm.s32 $_tile_overlayer_lowered  }
0x9c: {  	s22 =	simm.s32 $0x1BFF;
	s21 =	sshll.u32 s7, $0x1;
	s4 =	sadd.s32 s5, s19  }
0x9d: {  	s8 =	simm.s32 $0x0;
	s20 =	sshll.u32 s6, $0x1;
	s6 =	sadd.s32 s21, s4  }
0x9e: {  	[timem:s8], [sflag:s22] =	dma.local [hbm:s6], s20  }
0x9f: {  	_ =	swait.ge [sflag:s22], s20  }
0xa0: {  	s5 =	ssub.s32 $0x0, s20;
	[sflag:s22] =	ssyncset.done $0x0  }
0xa1: {  	[sflag:s22] =	ssyncadd.s32 s5;
	_ =	sdelay $0x1  }
0xa2: {  	s23 =	simm.s32 $0x1B8B  }
0xa3: {  	_ =	swait.ge [sflag:s23], $0x1  }
0xa4: {  	[sflag:s23] =	ssyncset.done $0x0  }
0xa5: {  	s25 =	simm.s32 $0x1B8E;
	s24 =	sld [smem:$0x3FFE];
	[sflag:s23] =	ssyncadd.s32 $0xFFFFFFFF  }
0xa6: {  	s26 =	simm.s32 $execute0_lowered;
	[smem:$0x3FD2] =	sst s25  }
0xa7: {  	s6 =	sshll.u32 s26, $0x1;
	_ =	strace $0x80000046;
	[dreg:$0x1] =	wrdreg $0xFFFFFFFF  }
0xa8: {  	s28 =	simm.s32 $_size_execute0_lowered;
	s4 =	sadd.s32 s4, s6;
	[dreg:$0x0] =	wrdreg $0x0  }
0xa9: {  	s6 =	sshll.u32 s28, $0x1;
	[dreg:$0x2] =	wrdreg s4  }
0xaa: {  	[dreg:$0x3] =	wrdreg s6  }
0xab: {  	[dreg:$0x4] =	wrdreg $0xC0  }
0xac: {  	_ =	task [dreg:s8], $0x5FFFF  }
0xad: {  	[dreg:$0x1] =	wrdreg $0xFFFFFFFF  }
0xae: {  	[dreg:$0x0] =	wrdreg $0x60  }
0xaf: {  	[dreg:$0x2] =	wrdreg s2  }
0xb0: {  	[dreg:$0x3] =	wrdreg s24  }
0xb1: {  	[dreg:$0x4] =	wrdreg s18  }
0xb2: {  	[dreg:$0x5] =	wrdreg $0x9  }
0xb3: {  	_ =	task.clear_ibuf [dreg:s8], $0x6FFFF;
	_ =	strace $0x90000046  }
0xb4: {  	s29 =	simm.s32 $0x9;
	_ =	strace $0x80000048  }
0xb5: {  	_ =	swait.ge [sflag:s29], $0x1  }
0xb6: {  	[sflag:s29] =	ssyncadd.s32 $0xFFFFFFFF  }
0xb7: {  	_ =	strace $0x90000048  }
0xb8: {  	_ =	sfence  }
0xb9: {  	s30 =	sld [smem:$0x0];
	_ =	sdelay $0x2  }
0xba: {  	s31 =	sshll.u32 s1, $0xD;
	s1 =	sshrl.u32 s1, $0x2  }
0xbb: {  	s3 =	sand.u32 $0x4000, s31;
	s1 =	sadd.s32 s1, s30  }
0xbc: {  	s0 =	sor.u32 s3, s0;
	s1 =	sshll.u32 s1, $0x11  }
0xbd: {  	s0 =	sor.u32 s1, s0  }
0xbe: {  	s0 =	sadd.s32 $0x8F2B, s0  }
0xbf: {  	[sflag:s0] =	ssyncadd.remote.s32 $0x1  }
0xc0: {  	_ =	sfence.sel $0xFFFF  }
0xc1: {  	[dreg:$0x0] =	wrdreg $0xFFFFFFFF;
	(pc) =	sbr.abs _section_cstart, $3  }
0xc2: {  	[dreg:$0x1] =	wrdreg $0xFFFFFFFF  }
0xc3: {  	_ =	task.clear_ibuf [dreg:s8], $0x2FFFF;
	_ =	strace $0x9FFFFFFF  }
0xc4: {  	(tm) =	ssettm $0x7FFFFFFF  }
0xc5: {  	_ =	shalt  }
tec
execute0_lowered:
.L_overlay_start_1:
0x0: {  	(tag) =	ssettag $0x1  }
0x1: {  	s1 =	rddreg [dreg:$0x0]  }
0x2: {  	s0 =	rddreg [dreg:$0x1]  }
0x3: {  	s2 =	rddreg [dreg:$0x2]  }
0x4: {  	s3 =	srdreg.scid;
	s4 =	simm.s32 $0x0;
	s10 =	simm.s32 $0x2  }
0x5: {  	s11 =	simm.s32 $0x80;
	s12 =	simm.s32 $0x320;
	s13 =	simm.s32 $0x2320  }
0x6: {  	s14 =	simm.s32 $0x100;
	s15 =	simm.s32 $0x4320;
	s16 =	simm.s32 $0x180  }
0x7: {  	s17 =	simm.s32 $0x6320;
	s18 =	simm.s32 $0x200;
	s19 =	simm.s32 $0x8320  }
0x8: {  	s20 =	simm.s32 $0x280;
	s21 =	simm.s32 $0xA320;
	s22 =	simm.s32 $0x20  }
0x9: {  	s23 =	simm.s32 $0x300;
	s24 =	simm.s32 $0xC320;
	s25 =	simm.s32 $0x1  }
0xa: {  	s26 =	simm.s32 $0x0;
	s6 =	sand.u32 $0x1, s3;
	[smem:$0x7FF] =	sst s4  }
0xb: {  	s3 =	stileid.u32;
	s5 =	sadd.s32 $0xF42E00, s0;
	s7 =	ssub.s32 $0x2, s6  }
0xc: {  	_ =	strace $0x80000047;
	s9 =	sshll.u32 s3, $0x1;
	s8 =	sshrl.u32 s7, $0x1  }
0xd: {  	s31 =	sor.u32 s6, s9;
	s6 =	sadd.s32 $0xA00, s0;
	s8 =	ssub.s32 s7, s8  }
0xe: {  	s9 =	simm.s32 $0xCB20;
	s7 =	smul.u32 $0x1900, s31;
	s8 =	smax.u32 s8, $0x1  }
.LBB2_1:
0xf: {  	[tilespmem:s9], [sflag:$0x2] =	stream.linear.gather [hbm4b:s6+s4], $0x3200, $0x38;
	[tilespmem:$0xFD20] =	vst v63  }
0x10: {  	_ =	swait.ge [sflag:s10], $0x3200  }
0x11: {  	[sflag:s10] =	ssyncset.done $0x0  }
0x12: {  	s28 =	simm.s32 $0x0;
	[sflag:s10] =	ssyncadd.s32 $0xFFFFCE00  }
.LBB2_2:
0x13: {  	s0 =	smul.u32 $0x320, s28;
	_ =	sdelay $0x1  }
0x14: {  	s29 =	sadd.s32 s7, s0  }
0x15: {  	s0 =	sshrl.u32 s29, $0x3  }
0x16: {  	s30 =	simm.s32 $0x0;
	s0 =	sadd.s32 s1, s0  }
0x17: {  	[tilespmem:s30], [sflag:$0x2] =	stream.linear.gather [hbm4b:s0+s30], $0x320, $0x38;
	[tilespmem:$0xFD20] =	vst v63  }
0x18: {  	_ =	swait.ge [sflag:s10], $0x320  }
0x19: {  	[sflag:s10] =	ssyncset.done $0x0  }
0x1a: {  	[sflag:s10] =	ssyncadd.s32 $0xFFFFFCE0  }
0x1b: {  	[tilespmem:s12], [sflag:$0x1] =	stream.indirect.gather [hbm4b:s5+s11], $0x40, s30, s11, $0xb8;
	[tilespmem:$0xFD20] =	vst v63  }
0x1c: {  	_ = 	snop  }
0x1d: {  	[tilespmem:s13], [sflag:$0x1] =	stream.indirect.gather [hbm4b:s5+s11], $0x40, s11, s11, $0xb8;
	[tilespmem:$0xFD20] =	vst v63  }
0x1e: {  	_ = 	snop  }
0x1f: {  	[tilespmem:s15], [sflag:$0x1] =	stream.indirect.gather [hbm4b:s5+s11], $0x40, s14, s11, $0xb8;
	[tilespmem:$0xFD20] =	vst v63  }
0x20: {  	_ = 	snop  }
0x21: {  	[tilespmem:s17], [sflag:$0x1] =	stream.indirect.gather [hbm4b:s5+s11], $0x40, s16, s11, $0xb8;
	[tilespmem:$0xFD20] =	vst v63  }
0x22: {  	_ = 	snop  }
0x23: {  	[tilespmem:s19], [sflag:$0x1] =	stream.indirect.gather [hbm4b:s5+s11], $0x40, s18, s11, $0xb8;
	[tilespmem:$0xFD20] =	vst v63  }
0x24: {  	_ = 	snop  }
0x25: {  	[tilespmem:s21], [sflag:$0x1] =	stream.indirect.gather [hbm4b:s5+s11], $0x40, s20, s11, $0xb8;
	[tilespmem:$0xFD20] =	vst v63  }
0x26: {  	_ = 	snop  }
0x27: {  	[tilespmem:s24], [sflag:$0x1] =	stream.indirect.gather [hbm4b:s5+s22], $0x40, s23, s22, $0xb8;
	[tilespmem:$0xFD20] =	vst v63  }
0x28: {  	_ =	swait.ge [sflag:s25], $0x2000  }
0x29: {  	[sflag:s25] =	ssyncset.done $0x0  }
0x2a: {  	[sflag:s25] =	ssyncadd.s32 $0xFFFFE000  }
0x2b: {  	_ =	swait.ge [sflag:s25], $0x2000  }
0x2c: {  	[sflag:s25] =	ssyncset.done $0x0  }
0x2d: {  	[sflag:s25] =	ssyncadd.s32 $0xFFFFE000  }
0x2e: {  	_ =	swait.ge [sflag:s25], $0x2000  }
0x2f: {  	[sflag:s25] =	ssyncset.done $0x0  }
0x30: {  	[sflag:s25] =	ssyncadd.s32 $0xFFFFE000  }
0x31: {  	_ =	swait.ge [sflag:s25], $0x2000  }
0x32: {  	[sflag:s25] =	ssyncset.done $0x0  }
0x33: {  	[sflag:s25] =	ssyncadd.s32 $0xFFFFE000  }
0x34: {  	_ =	swait.ge [sflag:s25], $0x2000  }
0x35: {  	[sflag:s25] =	ssyncset.done $0x0  }
0x36: {  	[sflag:s25] =	ssyncadd.s32 $0xFFFFE000  }
0x37: {  	_ =	swait.ge [sflag:s25], $0x2000  }
0x38: {  	[sflag:s25] =	ssyncset.done $0x0  }
0x39: {  	[sflag:s25] =	ssyncadd.s32 $0xFFFFE000  }
0x3a: {  	_ =	swait.ge [sflag:s25], $0x800  }
0x3b: {  	[sflag:s25] =	ssyncset.done $0x0  }
0x3c: {  	s30 =	simm.s32 $0x0;
	[sflag:s25] =	ssyncadd.s32 $0xFFFFF800  }
0x3d: {  	v0 =	vld [tilespmem:s30+$0xCB90]  }
0x3e: {  	v1 =	vld [tilespmem:s30+$0xCB20]  }
0x3f: {  	v2 =	vld [tilespmem:s30+$0xCB30]  }
0x40: {  	v3 =	vld [tilespmem:s30+$0xCB40]  }
0x41: {  	v4 =	vld [tilespmem:s30+$0xCB50]  }
0x42: {  	v5 =	vld [tilespmem:s30+$0xCB60]  }
0x43: {  	v6 =	vld [tilespmem:s30+$0xCB70]  }
0x44: {  	v7 =	vld [tilespmem:s30+$0xCB80]  }
0x45: {  	[tilespmem:s30+$0x9990] =	vst.add.f32.msk $0xffff, v0  }
0x46: {  	[tilespmem:s30+$0x320] =	vst.add.f32.msk $0xffff, v1  }
0x47: {  	[tilespmem:s30+$0x3520] =	vst.add.f32.msk $0xffff, v1  }
0x48: {  	[tilespmem:s30+$0x6720] =	vst.add.f32.msk $0xffff, v1  }
0x49: {  	[tilespmem:s30+$0x9920] =	vst.add.f32.msk $0xffff, v1  }
0x4a: {  	[tilespmem:s30+$0x330] =	vst.add.f32.msk $0xffff, v2  }
0x4b: {  	[tilespmem:s30+$0x3530] =	vst.add.f32.msk $0xffff, v2  }
0x4c: {  	[tilespmem:s30+$0x6730] =	vst.add.f32.msk $0xffff, v2  }
0x4d: {  	[tilespmem:s30+$0x9930] =	vst.add.f32.msk $0xffff, v2  }
0x4e: {  	[tilespmem:s30+$0x340] =	vst.add.f32.msk $0xffff, v3  }
0x4f: {  	[tilespmem:s30+$0x3540] =	vst.add.f32.msk $0xffff, v3  }
0x50: {  	[tilespmem:s30+$0x6740] =	vst.add.f32.msk $0xffff, v3  }
0x51: {  	[tilespmem:s30+$0x9940] =	vst.add.f32.msk $0xffff, v3  }
0x52: {  	[tilespmem:s30+$0x350] =	vst.add.f32.msk $0xffff, v4  }
0x53: {  	[tilespmem:s30+$0x3550] =	vst.add.f32.msk $0xffff, v4  }
0x54: {  	[tilespmem:s30+$0x6750] =	vst.add.f32.msk $0xffff, v4  }
0x55: {  	[tilespmem:s30+$0x9950] =	vst.add.f32.msk $0xffff, v4  }
0x56: {  	[tilespmem:s30+$0x360] =	vst.add.f32.msk $0xffff, v5  }
0x57: {  	[tilespmem:s30+$0x3560] =	vst.add.f32.msk $0xffff, v5  }
0x58: {  	[tilespmem:s30+$0x6760] =	vst.add.f32.msk $0xffff, v5  }
0x59: {  	[tilespmem:s30+$0x9960] =	vst.add.f32.msk $0xffff, v5  }
0x5a: {  	[tilespmem:s30+$0x370] =	vst.add.f32.msk $0xffff, v6  }
0x5b: {  	[tilespmem:s30+$0x3570] =	vst.add.f32.msk $0xffff, v6  }
0x5c: {  	[tilespmem:s30+$0x6770] =	vst.add.f32.msk $0xffff, v6  }
0x5d: {  	[tilespmem:s30+$0x9970] =	vst.add.f32.msk $0xffff, v6  }
0x5e: {  	[tilespmem:s30+$0x380] =	vst.add.f32.msk $0xffff, v7  }
0x5f: {  	[tilespmem:s30+$0x3580] =	vst.add.f32.msk $0xffff, v7  }
0x60: {  	[tilespmem:s30+$0x6780] =	vst.add.f32.msk $0xffff, v7  }
0x61: {  	[tilespmem:s30+$0x9980] =	vst.add.f32.msk $0xffff, v7  }
0x62: {  	[tilespmem:s30+$0x390] =	vst.add.f32.msk $0xffff, v0  }
0x63: {  	s31 =	simm.s32 $0x0;
	s0 =	simm.s32 $0x200;
	[tilespmem:s30+$0x3590] =	vst.add.f32.msk $0xffff, v0  }
.LBB2_3:
0x64: {  	s31 =	sadd.s32 $0x2, s31;
	[tilespmem:s30+$0x6790] =	vst.add.f32.msk $0xffff, v0;
	s30 =	sshra.s32 s0, $0x2  }
0x65: {  	v0 =	vld [tilespmem:s30+$0xCB90];
	p0 =	slt.u32 s31, $0xC6  }
0x66: {  	v1 =	vld [tilespmem:s30+$0xCB20]  }
0x67: {  	v2 =	vld [tilespmem:s30+$0xCB30]  }
0x68: {  	v3 =	vld [tilespmem:s30+$0xCB40]  }
0x69: {  	v4 =	vld [tilespmem:s30+$0xCB50]  }
0x6a: {  	[tilespmem:s30+$0x9990] =	vst.add.f32.msk $0xffff, v0  }
0x6b: {  	v5 =	vld [tilespmem:s30+$0xCB60]  }
0x6c: {  	v6 =	vld [tilespmem:s30+$0xCB70]  }
0x6d: {  	v7 =	vld [tilespmem:s30+$0xCB80]  }
0x6e: {  	[tilespmem:s30+$0x320] =	vst.add.f32.msk $0xffff, v1  }
0x6f: {  	[tilespmem:s30+$0x3520] =	vst.add.f32.msk $0xffff, v1  }
0x70: {  	[tilespmem:s30+$0x6720] =	vst.add.f32.msk $0xffff, v1  }
0x71: {  	[tilespmem:s30+$0x9920] =	vst.add.f32.msk $0xffff, v1  }
0x72: {  	[tilespmem:s30+$0x330] =	vst.add.f32.msk $0xffff, v2  }
0x73: {  	[tilespmem:s30+$0x3530] =	vst.add.f32.msk $0xffff, v2  }
0x74: {  	[tilespmem:s30+$0x6730] =	vst.add.f32.msk $0xffff, v2  }
0x75: {  	[tilespmem:s30+$0x9930] =	vst.add.f32.msk $0xffff, v2  }
0x76: {  	[tilespmem:s30+$0x340] =	vst.add.f32.msk $0xffff, v3  }
0x77: {  	[tilespmem:s30+$0x3540] =	vst.add.f32.msk $0xffff, v3  }
0x78: {  	[tilespmem:s30+$0x6740] =	vst.add.f32.msk $0xffff, v3  }
0x79: {  	[tilespmem:s30+$0x9940] =	vst.add.f32.msk $0xffff, v3  }
0x7a: {  	[tilespmem:s30+$0x350] =	vst.add.f32.msk $0xffff, v4  }
0x7b: {  	[tilespmem:s30+$0x3550] =	vst.add.f32.msk $0xffff, v4  }
0x7c: {  	[tilespmem:s30+$0x6750] =	vst.add.f32.msk $0xffff, v4  }
0x7d: {  	[tilespmem:s30+$0x9950] =	vst.add.f32.msk $0xffff, v4  }
0x7e: {  	[tilespmem:s30+$0x360] =	vst.add.f32.msk $0xffff, v5  }
0x7f: {  	[tilespmem:s30+$0x3560] =	vst.add.f32.msk $0xffff, v5  }
0x80: {  	[tilespmem:s30+$0x6760] =	vst.add.f32.msk $0xffff, v5  }
0x81: {  	[tilespmem:s30+$0x9960] =	vst.add.f32.msk $0xffff, v5  }
0x82: {  	[tilespmem:s30+$0x370] =	vst.add.f32.msk $0xffff, v6  }
0x83: {  	[tilespmem:s30+$0x3570] =	vst.add.f32.msk $0xffff, v6  }
0x84: {  	[tilespmem:s30+$0x6770] =	vst.add.f32.msk $0xffff, v6  }
0x85: {  	[tilespmem:s30+$0x9970] =	vst.add.f32.msk $0xffff, v6  }
0x86: {  	[tilespmem:s30+$0x380] =	vst.add.f32.msk $0xffff, v7  }
.Ltmp0:
0x87: {  	[tilespmem:s30+$0x3580] =	vst.add.f32.msk $0xffff, v7;
	(pc) =	sbr.rel @p0 .LBB2_3-.Ltmp0, $4  }
0x88: {  	[tilespmem:s30+$0x6780] =	vst.add.f32.msk $0xffff, v7  }
0x89: {  	[tilespmem:s30+$0x9980] =	vst.add.f32.msk $0xffff, v7  }
0x8a: {  	[tilespmem:s30+$0x390] =	vst.add.f32.msk $0xffff, v0  }
0x8b: {  	s0 =	sadd.s32 $0x200, s0;
	[tilespmem:s30+$0x3590] =	vst.add.f32.msk $0xffff, v0  }
0x8c: {  	s28 =	sadd.s32 $0x1, s28  }
0x8d: {  	s0 =	sshll.u32 s29, $0x3;
	p0 =	sne.s32 s28, $0x8  }
.Ltmp1:
0x8e: {  	[tilespmem:s30+$0x6790] =	vst.add.f32.msk $0xffff, v0;
	s0 =	sadd.s32 s2, s0;
	(pc) =	sbr.rel @p0 .LBB2_2-.Ltmp1, $4  }
0x8f: {  	[hbm4b:s0+s4] =	stream.linear.scatter [tilespmem:s12], [sflag:$0x2], $0xC800, $0x38;
	[tilespmem:$0xFD20] =	vst v63  }
0x90: {  	_ =	swait.ge [sflag:s10], $0xC800  }
0x91: {  	[sflag:s10] =	ssyncset.done $0x0  }
0x92: {  	[sflag:s10] =	ssyncadd.s32 $0xFFFF3800  }
0x93: {  	s26 =	sadd.s32 $0x1, s26  }
0x94: {  	p0 =	sne.s32 s26, s8  }
.Ltmp2:
0x95: {  	_ = 	snop;
	(pc) =	sbr.rel @p0 .LBB2_1-.Ltmp2, $1  }
0x96: {  	_ =	sdelay $0x3  }
0x97: {  	_ =	sfence.sel $0x180000  }
0x98: {  	[bflag:$0x0] =	sbarrier.arrive $0xFFFF  }
0x99: {  	_ =	strace $0x90000047  }
0x9a: {  	[bflag:$0x2] =	sbarrier.arrive $0xFFFF  }
0x9b: {  	p0 =	sne.s32 s3, $0x0;
	s0 =	rddreg [dreg:$0x3]  }
0x9c: {  	s0 =	sadd.s32 @!p0 $0x100000, s0  }
0x9d: {  	[sflag:s0] =	ssyncadd.tile.s32 @!p0 $0x1;
	_ =	shalt  }
.Lfunc_end2:
_tile_overlayer_lowered:
.L_overlay_start_2:
0x9e: {  	(tag) =	ssettag $0x2  }
0x9f: {  	s0 =	rddreg [dreg:$0x0];
	s2 =	stileid.u32  }
0xa0: {  	s1 =	rddreg [dreg:$0x1];
	p0 =	sne.s32 s2, $0x0  }
0xa1: {  	s3 =	rddreg [dreg:$0x2];
	[bflag:$0x3] =	sbarrier.arrive $0xFFFF;
	s2 =	simm.s32 @!p0 $0x1C02  }
0xa2: {  	[timem:s3], [sflag:s2] =	dma.local @!p0 [hbm:s0], s1  }
0xa3: {  	s0 =	simm.s32 @!p0 $0x2  }
0xa4: {  	_ =	swait.ge @!p0 [sflag:s0], s1  }
0xa5: {  	s1 =	ssub.s32 @!p0 $0x0, s1;
	[sflag:s0] =	ssyncset.done @!p0 $0x0  }
0xa6: {  	[sflag:s0] =	ssyncadd.s32 @!p0 s1  }
0xa7: {  	[bflag:$0x3] =	sbarrier.arrive $0xFFFF  }
0xa8: {  	_ =	shalt  }

// kernel: sparse-core-data-format-call.cloned.1.call-start
scs
called_computation_lowered:
.L_overlay_start_0:
0x0: {  	s2 =	sld [smem:$0x3FD9]  }
0x1: {  	s3 =	sld [smem:$0x3FFE];
	_ =	sdelay $0x1  }
0x2: {  	s1 =	srdreg.scid  }
0x3: {  	s0 =	sand.u32 $0x1, s1  }
0x4: {  	s18 =	sshll.u32 s0, $0xA;
	s2 =	sadd.s32 s3, s2  }
0x5: {  	s2 =	sadd.s32 s2, s18  }
0x6: {  	[smem:$0x3FC5] =	sst s2  }
0x7: {  	_ = 	snop  }
0x8: {  	s2 =	sld [smem:$0x3FD0];
	(tm) =	ssettm $0x1  }
0x9: {  	s19 =	sld [smem:$0x3FFB];
	_ =	sdelay $0x3  }
0xa: {  	_ =	strace s19  }
0xb: {  	s3 =	sld [smem:$0x3FFC];
	_ =	sdelay $0x3  }
0xc: {  	_ =	strace s3  }
0xd: {  	s3 =	sld [smem:$0x3FFD];
	_ =	sdelay $0x3  }
0xe: {  	_ =	strace s3  }
0xf: {  	_ =	strace $0x8FFFFFFF  }
0x10: {  	s20 =	sld [smem:$0x3FDB];
	_ =	sdelay $0x1  }
0x11: {  	s4 =	simm.s32 $_scs_section_size  }
0x12: {  	s5 =	simm.s32 $_size__tile_overlayer_lowered;
	s6 =	simm.s32 $_tile_overlayer_lowered  }
0x13: {  	s23 =	simm.s32 $0x1BFF;
	s22 =	sshll.u32 s6, $0x1;
	s3 =	sadd.s32 s4, s20  }
0x14: {  	s7 =	simm.s32 $0x0;
	s21 =	sshll.u32 s5, $0x1;
	s5 =	sadd.s32 s22, s3  }
0x15: {  	[timem:s7], [sflag:s23] =	dma.local [hbm:s5], s21  }
0x16: {  	_ =	swait.ge [sflag:s23], s21  }
0x17: {  	s4 =	ssub.s32 $0x0, s21;
	[sflag:s23] =	ssyncset.done $0x0  }
0x18: {  	[sflag:s23] =	ssyncadd.s32 s4;
	_ =	sdelay $0x1  }
0x19: {  	s24 =	simm.s32 $0x1B8B  }
0x1a: {  	_ =	swait.ge [sflag:s24], $0x1  }
0x1b: {  	[sflag:s24] =	ssyncset.done $0x0  }
0x1c: {  	s26 =	simm.s32 $0x1B8E;
	s25 =	sld [smem:$0x3FFE];
	[sflag:s24] =	ssyncadd.s32 $0xFFFFFFFF  }
0x1d: {  	s27 =	simm.s32 $execute0_lowered;
	[smem:$0x3FD2] =	sst s26  }
0x1e: {  	s5 =	sshll.u32 s27, $0x1;
	_ =	strace $0x80000049;
	[dreg:$0x1] =	wrdreg $0xFFFFFFFF  }
0x1f: {  	s28 =	simm.s32 $_size_execute0_lowered;
	s3 =	sadd.s32 s3, s5;
	[dreg:$0x0] =	wrdreg $0x0  }
0x20: {  	s5 =	sshll.u32 s28, $0x1;
	[dreg:$0x2] =	wrdreg s3  }
0x21: {  	[dreg:$0x3] =	wrdreg s5  }
0x22: {  	[dreg:$0x4] =	wrdreg $0xC0  }
0x23: {  	_ =	task [dreg:s7], $0x5FFFF  }
0x24: {  	[dreg:$0x1] =	wrdreg $0xFFFFFFFF  }
0x25: {  	[dreg:$0x0] =	wrdreg $0x60  }
0x26: {  	[dreg:$0x2] =	wrdreg s25  }
0x27: {  	[dreg:$0x3] =	wrdreg s2  }
0x28: {  	[dreg:$0x4] =	wrdreg $0x9  }
0x29: {  	_ =	task.clear_ibuf [dreg:s7], $0x5FFFF;
	_ =	strace $0x90000049  }
0x2a: {  	s29 =	simm.s32 $0x9;
	_ =	strace $0x8000004B  }
0x2b: {  	_ =	swait.ge [sflag:s29], $0x1  }
0x2c: {  	[sflag:s29] =	ssyncadd.s32 $0xFFFFFFFF  }
0x2d: {  	_ =	strace $0x9000004B  }
0x2e: {  	_ =	sfence  }
0x2f: {  	s30 =	sld [smem:$0x0];
	_ =	sdelay $0x2  }
0x30: {  	s31 =	sshll.u32 s1, $0xD;
	s1 =	sshrl.u32 s1, $0x2  }
0x31: {  	s3 =	sand.u32 $0x4000, s31;
	s1 =	sadd.s32 s1, s30  }
0x32: {  	s0 =	sor.u32 s3, s0;
	s1 =	sshll.u32 s1, $0x11  }
0x33: {  	s0 =	sor.u32 s1, s0  }
0x34: {  	s0 =	sadd.s32 $0x8F2B, s0  }
0x35: {  	[sflag:s0] =	ssyncadd.remote.s32 $0x1  }
0x36: {  	_ =	sfence.sel $0xFFFF  }
0x37: {  	[dreg:$0x0] =	wrdreg $0xFFFFFFFF;
	(pc) =	sbr.abs _section_cstart, $3  }
0x38: {  	[dreg:$0x1] =	wrdreg $0xFFFFFFFF  }
0x39: {  	_ =	task.clear_ibuf [dreg:s7], $0x2FFFF;
	_ =	strace $0x9FFFFFFF  }
0x3a: {  	(tm) =	ssettm $0x7FFFFFFF  }
0x3b: {  	_ =	shalt  }
tec
execute0_lowered:
.L_overlay_start_1:
0x0: {  	(tag) =	ssettag $0x1  }
0x1: {  	s0 =	srdreg.scid  }
0x2: {  	s1 =	sshll.u32 s0, $0x4  }
0x3: {  	s4 =	rddreg [dreg:$0x0];
	s0 =	stileid.u32;
	s1 =	sand.u32 $0x10, s1  }
0x4: {  	s2 =	rddreg [dreg:$0x1];
	s7 =	simm.s32 $0x1;
	s1 =	sor.u32 s0, s1  }
0x5: {  	s8 =	simm.s32 $0x2;
	s11 =	simm.s32 $0x0;
	s3 =	sshll.u32 s1, $0x7  }
0x6: {  	s10 =	simm.s32 $0x0;
	s4 =	sadd.s32 $0xA00, s4;
	s6 =	ssub.s32 $0x32000, s3  }
.Ltmp0:
0x7: {  	s1 =	rddreg [dreg:$0x2];
	s5 =	sand.u32 $0xF80, s6;
	(pc) =	sbr.rel .LBB1_1-.Ltmp0, $4  }
0x8: {  	_ =	strace $0x8000004A;
	s9 =	smov.u32 s3;
	p0 =	sne.s32 s5, $0x0  }
0x9: {  	s6 =	sshrl.u32 s6, $0xC;
	s5 =	simm.s32 $0x1;
	s7 =	simm.s32 @!p0 $0x0  }
0xa: {  	[sflag:s5] =	ssyncpa.u1 $0x0;
	p0 =	por $0x0, $0x0;
	s6 =	sadd.s32 s7, s6  }
0xb: {  	[sflag:s8] =	ssyncpa.u1 $0x0;
	s8 =	simm.s32 $0x190000;
	s7 =	sadd.s32 $0x1, s6  }
.LBB1_4:
0xc: {  	s14 =	sshll.u32 s11, $0x3  }
0xd: {  	s30 =	sand.u32 $0x7F, s11;
	s15 =	sand.u32 $0xFFFFFC00, s14  }
0xe: {  	s11 =	sor.u32 s30, s15  }
0xf: {  	s15 =	smulhi.u32 $0x51EB851F, s11  }
0x10: {  	s14 =	smulhi.u32 $0x51EB851F, s14  }
0x11: {  	s15 =	sshrl.u32 s15, $0x10  }
0x12: {  	s14 =	sshrl.u32 s14, $0x10;
	s15 =	smul.u32 $0x32000, s15  }
0x13: {  	s14 =	sand.u32 $0x3F, s14  }
0x14: {  	s14 =	smul.u32 $0x6400, s14;
	s11 =	ssub.s32 s11, s15  }
0x15: {  	[tilespmem:s13+$0x810 ss:$0x81] =	vst.msk $0xffff, v2;
	s15 =	sand.u32 $0x7, s11  }
0x16: {  	[tilespmem:s13+$0x1020 ss:$0x81] =	vst.msk $0xffff, v0;
	s14 =	sadd.s32 s2, s14;
	s11 =	sshrl.u32 s11, $0x3;
	s15 =	sshll.u32 s15, $0x12  }
0x17: {  	[tilespmem:s13+$0x0 ss:$0x81] =	vst.msk $0xffff, v1;
	s11 =	sadd.s32 s11, s14;
	s31 =	sor.u32 $0x400, s15  }
0x18: {  	[hbm4b:s11+s31] =	stream.strided.scatter [tilespmem:s12], [sflag:$0x2], $0x2000, s8, s31, $0x20;
	[tilespmem:$0x8080] =	vst v63  }
.LBB1_5:
0x19: {  	s13 =	sadd.s32 $0x1000, s9  }
0x1a: {  	p2 =	sgt.s32 s13, $0x31FFF  }
0x1b: {  	s13 =	smov.u32 @p2 s3;
	p2 =	sne.s32 s10, s7  }
.Ltmp1:
0x1c: {  	p1 =	slt.u32 s10, $0x2;
	(pc) =	sbr.rel @!p2 .LBB1_6-.Ltmp1, $4  }
0x1d: {  	s12 =	simm.s32 @!p1 $0x2  }
0x1e: {  	s14 =	sadd.s32 $0x1, s10;
	_ =	swait.ge @!p1 [sflag:s12], $0x2000  }
0x1f: {  	s11 =	smov.u32 s9;
	p0 =	por !p0, !p0;
	[sflag:s12] =	ssyncset.done @!p1 $0x0  }
0x20: {  	s10 =	smov.u32 s14;
	s9 =	smov.u32 s13;
	[sflag:s12] =	ssyncadd.s32 @!p1 $0xFFFFE000  }
.LBB1_1:
0x21: {  	p1 =	sge.u32 s10, s6  }
0x22: {  	s12 =	sand.u32 @!p1 $0x1FFFFFF, s9  }
0x23: {  	s13 =	smulhi.u32 @!p1 $0x147AE15, s12;
	_ =	sdelay $0x1  }
0x24: {  	s13 =	sshrl.u32 @!p1 s13, $0xA  }
0x25: {  	s13 =	smul.u32 @!p1 $0x32000, s13;
	_ =	sdelay $0x1  }
0x26: {  	s31 =	sadd.s32 $0xFFFFFFFF, s10;
	s14 =	sxor.u32 @!p1 $0xFFFFFFFF, s10;
	s12 =	ssub.s32 @!p1 s12, s13  }
0x27: {  	s15 =	simm.s32 @!p1 $0x80;
	s14 =	sshll.u32 @!p1 s14, $0xD;
	s12 =	sshll.u32 @!p1 s12, $0x4  }
0x28: {  	s13 =	sand.u32 @!p1 $0x2000, s14;
	s14 =	simm.s32 @!p1 $0x40;
	s12 =	sadd.s32 @!p1 s4, s12  }
0x29: {  	[tilespmem:s13], [sflag:$0x1] =	stream.strided.gather @!p1 [hbm4b:s12+s14], $0x2000, s15, s14, $0x38;
	[tilespmem:$0x8080] =	vst v63  }
0x2a: {  	p1 =	sge.u32 s31, s6  }
.Ltmp2:
0x2b: {  	_ = 	snop;
	(pc) =	sbr.rel @p1 .LBB1_5-.Ltmp2, $1  }
0x2c: {  	_ =	sdelay $0x3  }
0x2d: {  	s12 =	simm.s32 $0x1  }
0x2e: {  	_ =	swait.ge [sflag:s5], $0x2000;
	s12 =	simm.s32 @!p0 $0x0  }
0x2f: {  	[sflag:s5] =	ssyncset.done $0x0;
	s13 =	sshll.u32 s12, $0xD  }
0x30: {  	[sflag:s5] =	ssyncadd.s32 $0xFFFFE000;
	s16 =	sor.u32 $0x20, s13  }
0x31: {  	s12 =	smul.u32 $0x8100, s12;
	v3 =	vld [tilespmem:s16+$0x10]  }
0x32: {  	s30 =	sand.u32 $0x1, s10;
	v2 =	vld [tilespmem:s16+$0xFFFFFFF0]  }
0x33: {  	s13 =	smul.u32 $0x8100, s30;
	s12 =	sshrl.u32 s12, $0x2;
	v0 =	vld [tilespmem:s16+$0x0]  }
0x34: {  	v1 =	vld [tilespmem:s16+$0xFFFFFFE0];
	s14 =	sor.u32 $0x4000, s12  }
0x35: {  	s31 =	sshrl.u32 s13, $0x2;
	s13 =	sadd.s32 $0x0, s14  }
0x36: {  	s15 =	simm.s32 $0x4;
	s16 =	sadd.s32 $0x40, s16;
	s12 =	sor.u32 $0x4000, s31;
	[tilespmem:s13+$0x1830 ss:$0x81] =	vst.msk $0xffff, v3  }
.LBB1_3:
0x37: {  	v3 =	vld [tilespmem:s16+$0x10];
	p1 =	sne.s32 s15, $0x1FC;
	[tilespmem:s13+$0x810 ss:$0x81] =	vst.msk $0xffff, v2;
	s17 =	smov.u32 s15;
	s15 =	sadd.s32 $0x4, s15  }
.Ltmp3:
0x38: {  	v2 =	vld [tilespmem:s16+$0xFFFFFFF0];
	[tilespmem:s13+$0x1020 ss:$0x81] =	vst.msk $0xffff, v0;
	(pc) =	sbr.rel @p1 .LBB1_3-.Ltmp3, $4  }
0x39: {  	v0 =	vld [tilespmem:s16+$0x0];
	[tilespmem:s13+$0x0 ss:$0x81] =	vst.msk $0xffff, v1  }
0x3a: {  	s13 =	sshra.s32 s17, $0x2;
	v1 =	vld [tilespmem:s16+$0xFFFFFFE0]  }
0x3b: {  	s13 =	sadd.s32 s13, s14  }
0x3c: {  	s16 =	sadd.s32 $0x40, s16;
	[tilespmem:s13+$0x1830 ss:$0x81] =	vst.msk $0xffff, v3  }
.Ltmp4:
0x3d: {  	_ = 	snop;
	(pc) =	sbr.rel .LBB1_4-.Ltmp4, $1  }
0x3e: {  	_ =	sdelay $0x3  }
.LBB1_6:
0x3f: {  	_ =	sfence.sel $0x180000  }
0x40: {  	s2 =	simm.s32 $0x1;
	[bflag:$0x0] =	sbarrier.arrive $0xFFFF  }
0x41: {  	s31 =	simm.s32 $0x2;
	[sflag:s2] =	ssyncpa.u1 $0x1  }
0x42: {  	[sflag:s31] =	ssyncpa.u1 $0x1  }
0x43: {  	p0 =	sne.s32 s0, $0x0;
	_ =	strace $0x9000004A  }
0x44: {  	s0 =	sadd.s32 @!p0 $0x100000, s1;
	[bflag:$0x2] =	sbarrier.arrive $0xFFFF  }
0x45: {  	[sflag:s0] =	ssyncadd.tile.s32 @!p0 $0x1;
	_ =	shalt  }
.Lfunc_end1:
_tile_overlayer_lowered:
.L_overlay_start_2:
0x46: {  	(tag) =	ssettag $0x2  }
0x47: {  	s0 =	rddreg [dreg:$0x0];
	s2 =	stileid.u32  }
0x48: {  	s1 =	rddreg [dreg:$0x1];
	p0 =	sne.s32 s2, $0x0  }
0x49: {  	s3 =	rddreg [dreg:$0x2];
	[bflag:$0x3] =	sbarrier.arrive $0xFFFF;
	s2 =	simm.s32 @!p0 $0x1C01  }
0x4a: {  	[timem:s3], [sflag:s2] =	dma.local @!p0 [hbm:s0], s1  }
0x4b: {  	s0 =	simm.s32 @!p0 $0x1  }
0x4c: {  	_ =	swait.ge @!p0 [sflag:s0], s1  }
0x4d: {  	s1 =	ssub.s32 @!p0 $0x0, s1;
	[sflag:s0] =	ssyncset.done @!p0 $0x0  }
0x4e: {  	[sflag:s0] =	ssyncadd.s32 @!p0 s1  }
0x4f: {  	[bflag:$0x3] =	sbarrier.arrive $0xFFFF  }
0x50: {  	_ =	shalt  }

</sc_bundles>
